<compile_context>
chip_gen: v7x
topology: tpu7x:2x2x1
jax: 0.10.2.dev20260603
libtpu: 0.0.44.dev20260713+nightly
codegen_flags: <defaults>
</compile_context>

<pallas_src>
import functools

import jax
import jax.numpy as jnp
from jax import lax
from jax.experimental import pallas as pl
from jax.experimental.pallas import tpu as pltpu
from jax.experimental.pallas import tpu_sc as plsc

N_TOKENS = 32768
N_EXPERTS = 64
TOP_K = 8
D_MODEL = 768

BM = 4096
LANES = 16
NUM_WORKERS = 32
ROWS_PER_WORKER = N_TOKENS // NUM_WORKERS



def _tc_body(x_ref, w_ref, gates_ref, loss_ref, acc_ref):
    i = pl.program_id(0)
    logits = jnp.dot(x_ref[...], w_ref[...], preferred_element_type=jnp.float32)
    m = jnp.max(logits, axis=-1, keepdims=True)
    e = jnp.exp(logits - m)
    s = jnp.sum(e, axis=-1, keepdims=True)
    gates = e / s
    gates_ref[...] = gates
    csum = jnp.sum(gates, axis=0, keepdims=True)

    @pl.when(i == 0)
    def _():
        acc_ref[...] = csum

    @pl.when(i > 0)
    def _():
        acc_ref[...] = acc_ref[...] + csum

    @pl.when(i == pl.num_programs(0) - 1)
    def _():
        c = acc_ref[...]
        mean = jnp.sum(c) / N_EXPERTS
        var = jnp.sum((c - mean) ** 2) / (N_EXPERTS - 1)
        loss_ref[0, 0] = var / (mean + 1e-6) ** 2


def _tc_gates(x, W):
    return pl.pallas_call(
        _tc_body,
        grid=(N_TOKENS // BM,),
        in_specs=[
            pl.BlockSpec((BM, D_MODEL), lambda i: (i, 0)),
            pl.BlockSpec((D_MODEL, N_EXPERTS), lambda i: (0, 0)),
        ],
        out_specs=[
            pl.BlockSpec((BM, N_EXPERTS), lambda i: (i, 0)),
            pl.BlockSpec(memory_space=pltpu.SMEM),
        ],
        out_shape=[
            jax.ShapeDtypeStruct((N_TOKENS, N_EXPERTS), jnp.float32),
            jax.ShapeDtypeStruct((1, 1), jnp.float32),
        ],
        scratch_shapes=[pltpu.VMEM((1, N_EXPERTS), jnp.float32)],
    )(x, W)



def _merge_top(ka, va, kb, vb, *, descending):
    take_a = ka >= kb
    mk = jnp.where(take_a, ka, kb)
    mv = jnp.where(take_a, va, vb)
    return plsc.sort_key_val(mk, mv, descending=descending)


def _topk_row(g_v, off, iota):
    ks, vs = [], []
    for c in range(N_EXPERTS // LANES):
        k = g_v[pl.ds(pl.multiple_of(off + c * LANES, LANES), LANES)]
        sk, sv = plsc.sort_key_val(k, iota + c * LANES, descending=(c % 2 == 0))
        ks.append(sk)
        vs.append(sv)
    k01, v01 = _merge_top(ks[0], vs[0], ks[1], vs[1], descending=True)
    k23, v23 = _merge_top(ks[2], vs[2], ks[3], vs[3], descending=False)
    return _merge_top(k01, v01, k23, v23, descending=True)


def _combine_softmax(kf, lo8, zidx):
    mx = kf.at[zidx].get(mode="promise_in_bounds")
    e = jnp.exp(kf - mx)
    e8 = jnp.where(lo8, e, 0.0)
    s = jnp.sum(e8)
    return e8 / s


def _sc_body(gates_hbm, comb_hbm, idx_hbm, g_v, c_v, i_v):
    wid = lax.axis_index("s") * 2 + lax.axis_index("c")
    base = wid * ROWS_PER_WORKER
    pltpu.sync_copy(
        gates_hbm.at[pl.ds(base * N_EXPERTS, ROWS_PER_WORKER * N_EXPERTS)], g_v)

    iota = lax.iota(jnp.int32, LANES)
    lo8 = iota < TOP_K
    shift_idx = jnp.where(lo8, iota, iota - TOP_K)
    zidx = iota * 0

    @plsc.parallel_loop(0, ROWS_PER_WORKER // 2, 1, unroll=4)
    def pair_body(p):
        off0 = p * (2 * N_EXPERTS)
        k0, v0 = _topk_row(g_v, off0, iota)
        k1, v1 = _topk_row(g_v, off0 + N_EXPERTS, iota)
        c0 = _combine_softmax(k0, lo8, zidx)
        c1 = _combine_softmax(k1, lo8, zidx)
        c1s = c1.at[shift_idx].get(mode="promise_in_bounds")
        v1s = v1.at[shift_idx].get(mode="promise_in_bounds")
        cpair = jnp.where(lo8, c0, c1s)
        vpair = jnp.where(lo8, v0, v1s)
        o = pl.multiple_of(p * (2 * TOP_K), LANES)
        c_v[pl.ds(o, LANES)] = cpair
        i_v[pl.ds(o, LANES)] = vpair

    pltpu.sync_copy(c_v, comb_hbm.at[pl.ds(base * TOP_K, ROWS_PER_WORKER * TOP_K)])
    pltpu.sync_copy(i_v, idx_hbm.at[pl.ds(base * TOP_K, ROWS_PER_WORKER * TOP_K)])


@functools.cache
def _sc_topk():
    return pl.kernel(
        _sc_body,
        out_type=(
            jax.ShapeDtypeStruct((N_TOKENS * TOP_K,), jnp.float32),
            jax.ShapeDtypeStruct((N_TOKENS * TOP_K,), jnp.int32),
        ),
        mesh=plsc.VectorSubcoreMesh(core_axis_name="c", subcore_axis_name="s"),
        compiler_params=pltpu.CompilerParams(needs_layout_passes=False),
        scratch_types=[
            pltpu.VMEM((ROWS_PER_WORKER * N_EXPERTS,), jnp.float32),
            pltpu.VMEM((ROWS_PER_WORKER * TOP_K,), jnp.float32),
            pltpu.VMEM((ROWS_PER_WORKER * TOP_K,), jnp.int32),
        ],
    )



def kernel(x, W):
    gates, loss = _tc_gates(x, W)
    comb_flat, idx_flat = _sc_topk()(gates.reshape(-1))
    combine_weights = comb_flat.reshape(N_TOKENS, TOP_K)
    top_k_indices = idx_flat.reshape(N_TOKENS, TOP_K)
    return combine_weights, top_k_indices, loss[0, 0]

# --- scband reference (transcript-rebuilt; emitter-appended) ---
"""Pipeline reference for scband-noisy-top-experts-per-item-router-16157666967664 (READ-ONLY COPY).

The authoritative reference and input builder live on the scoring server;
editing this copy changes nothing except your own understanding.
"""

import jax, jax.numpy as jnp
import numpy as np

NUM_EXPERTS = 64
TOP_K = 8
D_MODEL = 768
N_TOKENS = 32768


def setup_inputs(seed: int = 0) -> dict:
    key = jax.random.key(seed)
    k1, k2 = jax.random.split(key)
    x = jax.random.normal(k1, (N_TOKENS, D_MODEL), dtype=jnp.float32)
    # gating_layer: nn.Linear(input_dim, num_experts, bias=False); store as [d_model, num_experts] for x @ W
    W = jax.random.normal(k2, (D_MODEL, NUM_EXPERTS), dtype=jnp.float32) * 0.02
    return {"x": x, "W": W}


def reference(x, W):
    # eval mode: no gating noise (self.training False)
    logits = x @ W
    gates_softmax = jax.nn.softmax(logits, axis=-1)
    # importance auxiliary loss (torch .std() uses ddof=1)
    importance_per_expert = gates_softmax.sum(axis=0)
    mean_importance = importance_per_expert.mean()
    std_importance = jnp.std(importance_per_expert, ddof=1)
    importance_loss = (std_importance / (mean_importance + 1e-06)) ** 2
    top_k_gates, top_k_indices = jax.lax.top_k(gates_softmax, TOP_K)
    combine_weights = jax.nn.softmax(top_k_gates, axis=-1)
    return (combine_weights, top_k_indices, importance_loss)

if __name__ == "__main__":
    import jax
    _d = setup_inputs()
    print(jax.jit(kernel)(*tuple(_d.values())))

</pallas_src>

<mosaic_0001>
#map = affine_map<(d0, d1) -> (0)>
module attributes {stable_mosaic.version = 14 : i64} {
  func.func @_sc_body(%arg0: i32, %arg1: i32, %arg2: memref<2097152xf32, #tpu.memory_space<hbm>>, %arg3: memref<262144xf32, #tpu.memory_space<hbm>>, %arg4: memref<262144xi32, #tpu.memory_space<hbm>>, %arg5: memref<65536xf32, #tpu.memory_space<vmem>>, %arg6: memref<8192xf32, #tpu.memory_space<vmem>>, %arg7: memref<8192xi32, #tpu.memory_space<vmem>>) attributes {dimension_semantics = [#tpu.dimension_semantics<core_parallel>, #tpu.dimension_semantics<subcore_parallel>], iteration_bounds = array<i64: 2, 16>, scalar_prefetch = 0 : i64, scratch_operands = 3 : i64, tpu.core_type = #tpu.core_type<sc_vector_subcore>, window_params = [{transform_indices = #map}, {transform_indices = #map}, {transform_indices = #map}]} {
    %mul3A = arith.constant 2 : i32
    %mul3A_0 = arith.muli %arg1, %mul3A : i32
    %add3A = arith.addi %mul3A_0, %arg0 : i32
    %mul3A_1 = arith.constant 1024 : i32
    %mul3A_2 = arith.muli %add3A, %mul3A_1 : i32
    %mul3A_3 = arith.constant 64 : i32
    %mul3A_4 = arith.muli %mul3A_2, %mul3A_3 : i32
    "tpu.region"() ({
      %run_scoped3A = tpu.sem_alloc : memref<!tpu.dma_semaphore, #tpu.memory_space<semaphore_mem>>
      %dma_start3A = tpu.memref_slice %arg2[%mul3A_4] : memref<2097152xf32, #tpu.memory_space<hbm>> -> memref<65536xf32, #tpu.memory_space<hbm>>
      %dma_start3A_18 = tpu.memref_slice %arg2[%mul3A_4] : memref<2097152xf32, #tpu.memory_space<hbm>> -> memref<65536xf32, #tpu.memory_space<hbm>>
      tpu.enqueue_dma source(%dma_start3A_18 : memref<65536xf32, #tpu.memory_space<hbm>>) target(%arg5 : memref<65536xf32, #tpu.memory_space<vmem>>) target_semaphore(%run_scoped3A : memref<!tpu.dma_semaphore, #tpu.memory_space<semaphore_mem>>)
      %dma_wait3A = tpu.memref_slice %arg2[%mul3A_4] : memref<2097152xf32, #tpu.memory_space<hbm>> -> memref<65536xf32, #tpu.memory_space<hbm>>
      %dma_wait3A_19 = tpu.memref_slice %arg2[%mul3A_4] : memref<2097152xf32, #tpu.memory_space<hbm>> -> memref<65536xf32, #tpu.memory_space<hbm>>
      tpu.wait_dma2 semaphore(%run_scoped3A : memref<!tpu.dma_semaphore, #tpu.memory_space<semaphore_mem>>) src(%dma_wait3A_19 : memref<65536xf32, #tpu.memory_space<hbm>>) dst(%arg5 : memref<65536xf32, #tpu.memory_space<vmem>>)
      tpu.yield
    }) : () -> ()
    %iota3A = tpu.iota {dimensions = array<i32: 0>} : vector<16xi32>
    %lt3A = arith.constant 8 : i32
    %lt3A_5 = vector.broadcast %lt3A : i32 to vector<16xi32>
    %lt3A_6 = arith.cmpi slt, %iota3A, %lt3A_5 : vector<16xi32>
    %sub3A = arith.constant 8 : i32
    %sub3A_7 = vector.broadcast %sub3A : i32 to vector<16xi32>
    %sub3A_8 = arith.subi %iota3A, %sub3A_7 : vector<16xi32>
    %select_n3A = arith.select %lt3A_6, %iota3A, %sub3A_8 : vector<16xi1>, vector<16xi32>
    %mul3A_9 = arith.constant 0 : i32
    %mul3A_10 = vector.broadcast %mul3A_9 : i32 to vector<16xi32>
    %mul3A_11 = arith.muli %iota3A, %mul3A_10 : vector<16xi32>
    %parallel_loop3A = arith.constant 0 : i32
    %parallel_loop3A_12 = arith.constant 512 : i32
    %parallel_loop3A_13 = arith.constant 1 : i32
    scf.for %parallel_loop3A_18 = %parallel_loop3A to %parallel_loop3A_12 step %parallel_loop3A_13  : i32 {
      %parallel_loop3A_19 = arith.constant 128 : i32
      %parallel_loop3A_20 = arith.muli %parallel_loop3A_18, %parallel_loop3A_19 : i32
      %parallel_loop3A_21 = arith.constant 0 : i32
      %parallel_loop3A_22 = arith.addi %parallel_loop3A_20, %parallel_loop3A_21 : i32
      %parallel_loop3A_23 = tpu.assume_multiple %parallel_loop3A_22, 16 : i32
      %parallel_loop3A_24 = arith.index_cast %parallel_loop3A_23 : i32 to index
      %parallel_loop3A_25 = tpu.vector_load %arg5[%parallel_loop3A_24] {strides = array<i32>} : memref<65536xf32, #tpu.memory_space<vmem>>, vector<16xf32>,
      %parallel_loop3A_26 = arith.constant 0 : i32
      %parallel_loop3A_27 = vector.broadcast %parallel_loop3A_26 : i32 to vector<16xi32>
      %parallel_loop3A_28 = arith.addi %iota3A, %parallel_loop3A_27 : vector<16xi32>
      %parallel_loop3A_29 = arith.constant dense<true> : vector<16xi1>
      %parallel_loop3A_30, %parallel_loop3A_31, %parallel_loop3A_32 = tpu.sort %parallel_loop3A_25, %parallel_loop3A_28 masked %parallel_loop3A_29 {descending = true} : (vector<16xf32>, vector<16xi32>, vector<16xi1>) -> (vector<16xi1>, vector<16xf32>, vector<16xi32>)
      %parallel_loop3A_33 = arith.constant 16 : i32
      %parallel_loop3A_34 = arith.addi %parallel_loop3A_20, %parallel_loop3A_33 : i32
      %parallel_loop3A_35 = tpu.assume_multiple %parallel_loop3A_34, 16 : i32
      %parallel_loop3A_36 = arith.index_cast %parallel_loop3A_35 : i32 to index
      %parallel_loop3A_37 = tpu.vector_load %arg5[%parallel_loop3A_36] {strides = array<i32>} : memref<65536xf32, #tpu.memory_space<vmem>>, vector<16xf32>,
      %parallel_loop3A_38 = arith.constant 16 : i32
      %parallel_loop3A_39 = vector.broadcast %parallel_loop3A_38 : i32 to vector<16xi32>
      %parallel_loop3A_40 = arith.addi %iota3A, %parallel_loop3A_39 : vector<16xi32>
      %parallel_loop3A_41 = arith.constant dense<true> : vector<16xi1>
      %parallel_loop3A_42, %parallel_loop3A_43, %parallel_loop3A_44 = tpu.sort %parallel_loop3A_37, %parallel_loop3A_40 masked %parallel_loop3A_41 : (vector<16xf32>, vector<16xi32>, vector<16xi1>) -> (vector<16xi1>, vector<16xf32>, vector<16xi32>)
      %parallel_loop3A_45 = arith.constant 32 : i32
      %parallel_loop3A_46 = arith.addi %parallel_loop3A_20, %parallel_loop3A_45 : i32
      %parallel_loop3A_47 = tpu.assume_multiple %parallel_loop3A_46, 16 : i32
      %parallel_loop3A_48 = arith.index_cast %parallel_loop3A_47 : i32 to index
      %parallel_loop3A_49 = tpu.vector_load %arg5[%parallel_loop3A_48] {strides = array<i32>} : memref<65536xf32, #tpu.memory_space<vmem>>, vector<16xf32>,
      %parallel_loop3A_50 = arith.constant 32 : i32
      %parallel_loop3A_51 = vector.broadcast %parallel_loop3A_50 : i32 to vector<16xi32>
      %parallel_loop3A_52 = arith.addi %iota3A, %parallel_loop3A_51 : vector<16xi32>
      %parallel_loop3A_53 = arith.constant dense<true> : vector<16xi1>
      %parallel_loop3A_54, %parallel_loop3A_55, %parallel_loop3A_56 = tpu.sort %parallel_loop3A_49, %parallel_loop3A_52 masked %parallel_loop3A_53 {descending = true} : (vector<16xf32>, vector<16xi32>, vector<16xi1>) -> (vector<16xi1>, vector<16xf32>, vector<16xi32>)
      %parallel_loop3A_57 = arith.constant 48 : i32
      %parallel_loop3A_58 = arith.addi %parallel_loop3A_20, %parallel_loop3A_57 : i32
      %parallel_loop3A_59 = tpu.assume_multiple %parallel_loop3A_58, 16 : i32
      %parallel_loop3A_60 = arith.index_cast %parallel_loop3A_59 : i32 to index
      %parallel_loop3A_61 = tpu.vector_load %arg5[%parallel_loop3A_60] {strides = array<i32>} : memref<65536xf32, #tpu.memory_space<vmem>>, vector<16xf32>,
      %parallel_loop3A_62 = arith.constant 48 : i32
      %parallel_loop3A_63 = vector.broadcast %parallel_loop3A_62 : i32 to vector<16xi32>
      %parallel_loop3A_64 = arith.addi %iota3A, %parallel_loop3A_63 : vector<16xi32>
      %parallel_loop3A_65 = arith.constant dense<true> : vector<16xi1>
      %parallel_loop3A_66, %parallel_loop3A_67, %parallel_loop3A_68 = tpu.sort %parallel_loop3A_61, %parallel_loop3A_64 masked %parallel_loop3A_65 : (vector<16xf32>, vector<16xi32>, vector<16xi1>) -> (vector<16xi1>, vector<16xf32>, vector<16xi32>)
      %parallel_loop3A_69 = arith.cmpf oge, %parallel_loop3A_31, %parallel_loop3A_43 : vector<16xf32>
      %parallel_loop3A_70 = arith.select %parallel_loop3A_69, %parallel_loop3A_31, %parallel_loop3A_43 : vector<16xi1>, vector<16xf32>
      %parallel_loop3A_71 = arith.select %parallel_loop3A_69, %parallel_loop3A_32, %parallel_loop3A_44 : vector<16xi1>, vector<16xi32>
      %parallel_loop3A_72 = arith.constant dense<true> : vector<16xi1>
      %parallel_loop3A_73, %parallel_loop3A_74, %parallel_loop3A_75 = tpu.sort %parallel_loop3A_70, %parallel_loop3A_71 masked %parallel_loop3A_72 {descending = true} : (vector<16xf32>, vector<16xi32>, vector<16xi1>) -> (vector<16xi1>, vector<16xf32>, vector<16xi32>)
      %parallel_loop3A_76 = arith.cmpf oge, %parallel_loop3A_55, %parallel_loop3A_67 : vector<16xf32>
      %parallel_loop3A_77 = arith.select %parallel_loop3A_76, %parallel_loop3A_55, %parallel_loop3A_67 : vector<16xi1>, vector<16xf32>
      %parallel_loop3A_78 = arith.select %parallel_loop3A_76, %parallel_loop3A_56, %parallel_loop3A_68 : vector<16xi1>, vector<16xi32>
      %parallel_loop3A_79 = arith.constant dense<true> : vector<16xi1>
      %parallel_loop3A_80, %parallel_loop3A_81, %parallel_loop3A_82 = tpu.sort %parallel_loop3A_77, %parallel_loop3A_78 masked %parallel_loop3A_79 : (vector<16xf32>, vector<16xi32>, vector<16xi1>) -> (vector<16xi1>, vector<16xf32>, vector<16xi32>)
      %parallel_loop3A_83 = arith.cmpf oge, %parallel_loop3A_74, %parallel_loop3A_81 : vector<16xf32>
      %parallel_loop3A_84 = arith.select %parallel_loop3A_83, %parallel_loop3A_74, %parallel_loop3A_81 : vector<16xi1>, vector<16xf32>
      %parallel_loop3A_85 = arith.select %parallel_loop3A_83, %parallel_loop3A_75, %parallel_loop3A_82 : vector<16xi1>, vector<16xi32>
      %parallel_loop3A_86 = arith.constant dense<true> : vector<16xi1>
      %parallel_loop3A_87, %parallel_loop3A_88, %parallel_loop3A_89 = tpu.sort %parallel_loop3A_84, %parallel_loop3A_85 masked %parallel_loop3A_86 {descending = true} : (vector<16xf32>, vector<16xi32>, vector<16xi1>) -> (vector<16xi1>, vector<16xf32>, vector<16xi32>)
      %parallel_loop3A_90 = arith.constant 64 : i32
      %parallel_loop3A_91 = arith.addi %parallel_loop3A_20, %parallel_loop3A_90 : i32
      %parallel_loop3A_92 = arith.constant 0 : i32
      %parallel_loop3A_93 = arith.addi %parallel_loop3A_91, %parallel_loop3A_92 : i32
      %parallel_loop3A_94 = tpu.assume_multiple %parallel_loop3A_93, 16 : i32
      %parallel_loop3A_95 = arith.index_cast %parallel_loop3A_94 : i32 to index
      %parallel_loop3A_96 = tpu.vector_load %arg5[%parallel_loop3A_95] {strides = array<i32>} : memref<65536xf32, #tpu.memory_space<vmem>>, vector<16xf32>,
      %parallel_loop3A_97 = arith.constant 0 : i32
      %parallel_loop3A_98 = vector.broadcast %parallel_loop3A_97 : i32 to vector<16xi32>
      %parallel_loop3A_99 = arith.addi %iota3A, %parallel_loop3A_98 : vector<16xi32>
      %parallel_loop3A_100 = arith.constant dense<true> : vector<16xi1>
      %parallel_loop3A_101, %parallel_loop3A_102, %parallel_loop3A_103 = tpu.sort %parallel_loop3A_96, %parallel_loop3A_99 masked %parallel_loop3A_100 {descending = true} : (vector<16xf32>, vector<16xi32>, vector<16xi1>) -> (vector<16xi1>, vector<16xf32>, vector<16xi32>)
      %parallel_loop3A_104 = arith.constant 16 : i32
      %parallel_loop3A_105 = arith.addi %parallel_loop3A_91, %parallel_loop3A_104 : i32
      %parallel_loop3A_106 = tpu.assume_multiple %parallel_loop3A_105, 16 : i32
      %parallel_loop3A_107 = arith.index_cast %parallel_loop3A_106 : i32 to index
      %parallel_loop3A_108 = tpu.vector_load %arg5[%parallel_loop3A_107] {strides = array<i32>} : memref<65536xf32, #tpu.memory_space<vmem>>, vector<16xf32>,
      %parallel_loop3A_109 = arith.constant 16 : i32
      %parallel_loop3A_110 = vector.broadcast %parallel_loop3A_109 : i32 to vector<16xi32>
      %parallel_loop3A_111 = arith.addi %iota3A, %parallel_loop3A_110 : vector<16xi32>
      %parallel_loop3A_112 = arith.constant dense<true> : vector<16xi1>
      %parallel_loop3A_113, %parallel_loop3A_114, %parallel_loop3A_115 = tpu.sort %parallel_loop3A_108, %parallel_loop3A_111 masked %parallel_loop3A_112 : (vector<16xf32>, vector<16xi32>, vector<16xi1>) -> (vector<16xi1>, vector<16xf32>, vector<16xi32>)
      %parallel_loop3A_116 = arith.constant 32 : i32
      %parallel_loop3A_117 = arith.addi %parallel_loop3A_91, %parallel_loop3A_116 : i32
      %parallel_loop3A_118 = tpu.assume_multiple %parallel_loop3A_117, 16 : i32
      %parallel_loop3A_119 = arith.index_cast %parallel_loop3A_118 : i32 to index
      %parallel_loop3A_120 = tpu.vector_load %arg5[%parallel_loop3A_119] {strides = array<i32>} : memref<65536xf32, #tpu.memory_space<vmem>>, vector<16xf32>,
      %parallel_loop3A_121 = arith.constant 32 : i32
      %parallel_loop3A_122 = vector.broadcast %parallel_loop3A_121 : i32 to vector<16xi32>
      %parallel_loop3A_123 = arith.addi %iota3A, %parallel_loop3A_122 : vector<16xi32>
      %parallel_loop3A_124 = arith.constant dense<true> : vector<16xi1>
      %parallel_loop3A_125, %parallel_loop3A_126, %parallel_loop3A_127 = tpu.sort %parallel_loop3A_120, %parallel_loop3A_123 masked %parallel_loop3A_124 {descending = true} : (vector<16xf32>, vector<16xi32>, vector<16xi1>) -> (vector<16xi1>, vector<16xf32>, vector<16xi32>)
      %parallel_loop3A_128 = arith.constant 48 : i32
      %parallel_loop3A_129 = arith.addi %parallel_loop3A_91, %parallel_loop3A_128 : i32
      %parallel_loop3A_130 = tpu.assume_multiple %parallel_loop3A_129, 16 : i32
      %parallel_loop3A_131 = arith.index_cast %parallel_loop3A_130 : i32 to index
      %parallel_loop3A_132 = tpu.vector_load %arg5[%parallel_loop3A_131] {strides = array<i32>} : memref<65536xf32, #tpu.memory_space<vmem>>, vector<16xf32>,
      %parallel_loop3A_133 = arith.constant 48 : i32
      %parallel_loop3A_134 = vector.broadcast %parallel_loop3A_133 : i32 to vector<16xi32>
      %parallel_loop3A_135 = arith.addi %iota3A, %parallel_loop3A_134 : vector<16xi32>
      %parallel_loop3A_136 = arith.constant dense<true> : vector<16xi1>
      %parallel_loop3A_137, %parallel_loop3A_138, %parallel_loop3A_139 = tpu.sort %parallel_loop3A_132, %parallel_loop3A_135 masked %parallel_loop3A_136 : (vector<16xf32>, vector<16xi32>, vector<16xi1>) -> (vector<16xi1>, vector<16xf32>, vector<16xi32>)
      %parallel_loop3A_140 = arith.cmpf oge, %parallel_loop3A_102, %parallel_loop3A_114 : vector<16xf32>
      %parallel_loop3A_141 = arith.select %parallel_loop3A_140, %parallel_loop3A_102, %parallel_loop3A_114 : vector<16xi1>, vector<16xf32>
      %parallel_loop3A_142 = arith.select %parallel_loop3A_140, %parallel_loop3A_103, %parallel_loop3A_115 : vector<16xi1>, vector<16xi32>
      %parallel_loop3A_143 = arith.constant dense<true> : vector<16xi1>
      %parallel_loop3A_144, %parallel_loop3A_145, %parallel_loop3A_146 = tpu.sort %parallel_loop3A_141, %parallel_loop3A_142 masked %parallel_loop3A_143 {descending = true} : (vector<16xf32>, vector<16xi32>, vector<16xi1>) -> (vector<16xi1>, vector<16xf32>, vector<16xi32>)
      %parallel_loop3A_147 = arith.cmpf oge, %parallel_loop3A_126, %parallel_loop3A_138 : vector<16xf32>
      %parallel_loop3A_148 = arith.select %parallel_loop3A_147, %parallel_loop3A_126, %parallel_loop3A_138 : vector<16xi1>, vector<16xf32>
      %parallel_loop3A_149 = arith.select %parallel_loop3A_147, %parallel_loop3A_127, %parallel_loop3A_139 : vector<16xi1>, vector<16xi32>
      %parallel_loop3A_150 = arith.constant dense<true> : vector<16xi1>
      %parallel_loop3A_151, %parallel_loop3A_152, %parallel_loop3A_153 = tpu.sort %parallel_loop3A_148, %parallel_loop3A_149 masked %parallel_loop3A_150 : (vector<16xf32>, vector<16xi32>, vector<16xi1>) -> (vector<16xi1>, vector<16xf32>, vector<16xi32>)
      %parallel_loop3A_154 = arith.cmpf oge, %parallel_loop3A_145, %parallel_loop3A_152 : vector<16xf32>
      %parallel_loop3A_155 = arith.select %parallel_loop3A_154, %parallel_loop3A_145, %parallel_loop3A_152 : vector<16xi1>, vector<16xf32>
      %parallel_loop3A_156 = arith.select %parallel_loop3A_154, %parallel_loop3A_146, %parallel_loop3A_153 : vector<16xi1>, vector<16xi32>
      %parallel_loop3A_157 = arith.constant dense<true> : vector<16xi1>
      %parallel_loop3A_158, %parallel_loop3A_159, %parallel_loop3A_160 = tpu.sort %parallel_loop3A_155, %parallel_loop3A_156 masked %parallel_loop3A_157 {descending = true} : (vector<16xf32>, vector<16xi32>, vector<16xi1>) -> (vector<16xi1>, vector<16xf32>, vector<16xi32>)
      %parallel_loop3A_161 = arith.constant 0 : i32
      %parallel_loop3A_162 = vector.broadcast %parallel_loop3A_161 : i32 to vector<16xi32>
      %parallel_loop3A_163 = arith.cmpi slt, %mul3A_11, %parallel_loop3A_162 : vector<16xi32>
      %parallel_loop3A_164 = arith.constant 16 : i32
      %parallel_loop3A_165 = vector.broadcast %parallel_loop3A_164 : i32 to vector<16xi32>
      %parallel_loop3A_166 = arith.addi %mul3A_11, %parallel_loop3A_165 : vector<16xi32>
      %parallel_loop3A_167 = arith.select %parallel_loop3A_163, %parallel_loop3A_166, %mul3A_11 : vector<16xi1>, vector<16xi32>
      %parallel_loop3A_168 = vector.shape_cast %parallel_loop3A_167 : vector<16xi32> to vector<16x1xi32>
      %parallel_loop3A_169 = vector.shape_cast %parallel_loop3A_168 : vector<16x1xi32> to vector<16xi32>
      %parallel_loop3A_170 = tpu.dynamic_gather %parallel_loop3A_88[%parallel_loop3A_169] in [0] : vector<16xf32>, vector<16xi32> -> vector<16xf32>
      %parallel_loop3A_171 = arith.subf %parallel_loop3A_88, %parallel_loop3A_170 : vector<16xf32>
      %parallel_loop3A_172 = math.exp %parallel_loop3A_171 : vector<16xf32>
      %parallel_loop3A_173 = arith.constant 0.000000e+00 : f32
      %parallel_loop3A_174 = vector.broadcast %parallel_loop3A_173 : f32 to vector<16xf32>
      %parallel_loop3A_175 = arith.select %lt3A_6, %parallel_loop3A_172, %parallel_loop3A_174 : vector<16xi1>, vector<16xf32>
      %parallel_loop3A_176 = arith.constant true
      %parallel_loop3A_177 = vector.broadcast %parallel_loop3A_176 : i1 to vector<16xi1>
      %parallel_loop3A_178 = tpu.scan <sum>, %parallel_loop3A_175 masked %parallel_loop3A_177 : vector<16xf32>, vector<16xi1> -> vector<16xf32>
      %parallel_loop3A_179 = vector.extract %parallel_loop3A_178[15] : f32 from vector<16xf32>
      %parallel_loop3A_180 = vector.broadcast %parallel_loop3A_179 : f32 to vector<16xf32>
      %parallel_loop3A_181 = arith.divf %parallel_loop3A_175, %parallel_loop3A_180 : vector<16xf32>
      %parallel_loop3A_182 = arith.constant 0 : i32
      %parallel_loop3A_183 = vector.broadcast %parallel_loop3A_182 : i32 to vector<16xi32>
      %parallel_loop3A_184 = arith.cmpi slt, %mul3A_11, %parallel_loop3A_183 : vector<16xi32>
      %parallel_loop3A_185 = arith.constant 16 : i32
      %parallel_loop3A_186 = vector.broadcast %parallel_loop3A_185 : i32 to vector<16xi32>
      %parallel_loop3A_187 = arith.addi %mul3A_11, %parallel_loop3A_186 : vector<16xi32>
      %parallel_loop3A_188 = arith.select %parallel_loop3A_184, %parallel_loop3A_187, %mul3A_11 : vector<16xi1>, vector<16xi32>
      %parallel_loop3A_189 = vector.shape_cast %parallel_loop3A_188 : vector<16xi32> to vector<16x1xi32>
      %parallel_loop3A_190 = vector.shape_cast %parallel_loop3A_189 : vector<16x1xi32> to vector<16xi32>
      %parallel_loop3A_191 = tpu.dynamic_gather %parallel_loop3A_159[%parallel_loop3A_190] in [0] : vector<16xf32>, vector<16xi32> -> vector<16xf32>
      %parallel_loop3A_192 = arith.subf %parallel_loop3A_159, %parallel_loop3A_191 : vector<16xf32>
      %parallel_loop3A_193 = math.exp %parallel_loop3A_192 : vector<16xf32>
      %parallel_loop3A_194 = arith.constant 0.000000e+00 : f32
      %parallel_loop3A_195 = vector.broadcast %parallel_loop3A_194 : f32 to vector<16xf32>
      %parallel_loop3A_196 = arith.select %lt3A_6, %parallel_loop3A_193, %parallel_loop3A_195 : vector<16xi1>, vector<16xf32>
      %parallel_loop3A_197 = arith.constant true
      %parallel_loop3A_198 = vector.broadcast %parallel_loop3A_197 : i1 to vector<16xi1>
      %parallel_loop3A_199 = tpu.scan <sum>, %parallel_loop3A_196 masked %parallel_loop3A_198 : vector<16xf32>, vector<16xi1> -> vector<16xf32>
      %parallel_loop3A_200 = vector.extract %parallel_loop3A_199[15] : f32 from vector<16xf32>
      %parallel_loop3A_201 = vector.broadcast %parallel_loop3A_200 : f32 to vector<16xf32>
      %parallel_loop3A_202 = arith.divf %parallel_loop3A_196, %parallel_loop3A_201 : vector<16xf32>
      %parallel_loop3A_203 = arith.constant 0 : i32
      %parallel_loop3A_204 = vector.broadcast %parallel_loop3A_203 : i32 to vector<16xi32>
      %parallel_loop3A_205 = arith.cmpi slt, %select_n3A, %parallel_loop3A_204 : vector<16xi32>
      %parallel_loop3A_206 = arith.constant 16 : i32
      %parallel_loop3A_207 = vector.broadcast %parallel_loop3A_206 : i32 to vector<16xi32>
      %parallel_loop3A_208 = arith.addi %select_n3A, %parallel_loop3A_207 : vector<16xi32>
      %parallel_loop3A_209 = arith.select %parallel_loop3A_205, %parallel_loop3A_208, %select_n3A : vector<16xi1>, vector<16xi32>
      %parallel_loop3A_210 = vector.shape_cast %parallel_loop3A_209 : vector<16xi32> to vector<16x1xi32>
      %parallel_loop3A_211 = vector.shape_cast %parallel_loop3A_210 : vector<16x1xi32> to vector<16xi32>
      %parallel_loop3A_212 = tpu.dynamic_gather %parallel_loop3A_202[%parallel_loop3A_211] in [0] : vector<16xf32>, vector<16xi32> -> vector<16xf32>
      %parallel_loop3A_213 = arith.constant 0 : i32
      %parallel_loop3A_214 = vector.broadcast %parallel_loop3A_213 : i32 to vector<16xi32>
      %parallel_loop3A_215 = arith.cmpi slt, %select_n3A, %parallel_loop3A_214 : vector<16xi32>
      %parallel_loop3A_216 = arith.constant 16 : i32
      %parallel_loop3A_217 = vector.broadcast %parallel_loop3A_216 : i32 to vector<16xi32>
      %parallel_loop3A_218 = arith.addi %select_n3A, %parallel_loop3A_217 : vector<16xi32>
      %parallel_loop3A_219 = arith.select %parallel_loop3A_215, %parallel_loop3A_218, %select_n3A : vector<16xi1>, vector<16xi32>
      %parallel_loop3A_220 = vector.shape_cast %parallel_loop3A_219 : vector<16xi32> to vector<16x1xi32>
      %parallel_loop3A_221 = vector.shape_cast %parallel_loop3A_220 : vector<16x1xi32> to vector<16xi32>
      %parallel_loop3A_222 = tpu.dynamic_gather %parallel_loop3A_160[%parallel_loop3A_221] in [0] : vector<16xi32>, vector<16xi32> -> vector<16xi32>
      %parallel_loop3A_223 = arith.select %lt3A_6, %parallel_loop3A_181, %parallel_loop3A_212 : vector<16xi1>, vector<16xf32>
      %parallel_loop3A_224 = arith.select %lt3A_6, %parallel_loop3A_89, %parallel_loop3A_222 : vector<16xi1>, vector<16xi32>
      %parallel_loop3A_225 = arith.constant 16 : i32
      %parallel_loop3A_226 = arith.muli %parallel_loop3A_18, %parallel_loop3A_225 : i32
      %parallel_loop3A_227 = tpu.assume_multiple %parallel_loop3A_226, 16 : i32
      %parallel_loop3A_228 = arith.index_cast %parallel_loop3A_227 : i32 to index
      %parallel_loop3A_229 = tpu.vector_load %arg6[%parallel_loop3A_228] {strides = array<i32>} : memref<8192xf32, #tpu.memory_space<vmem>>, vector<16xf32>,
      tpu.vector_store %arg6[%parallel_loop3A_228], %parallel_loop3A_223 {strides = array<i32>} : memref<8192xf32, #tpu.memory_space<vmem>>, vector<16xf32>,
      %parallel_loop3A_230 = arith.index_cast %parallel_loop3A_227 : i32 to index
      %parallel_loop3A_231 = tpu.vector_load %arg7[%parallel_loop3A_230] {strides = array<i32>} : memref<8192xi32, #tpu.memory_space<vmem>>, vector<16xi32>,
      tpu.vector_store %arg7[%parallel_loop3A_230], %parallel_loop3A_224 {strides = array<i32>} : memref<8192xi32, #tpu.memory_space<vmem>>, vector<16xi32>,
    } {sc.loop_unroll_factor = 4 : i64, sc.parallel_access}
    %mul3A_14 = arith.constant 8 : i32
    %mul3A_15 = arith.muli %mul3A_2, %mul3A_14 : i32
    "tpu.region"() ({
      %run_scoped3A = tpu.sem_alloc : memref<!tpu.dma_semaphore, #tpu.memory_space<semaphore_mem>>
      %dma_start3A = tpu.memref_slice %arg3[%mul3A_15] : memref<262144xf32, #tpu.memory_space<hbm>> -> memref<8192xf32, #tpu.memory_space<hbm>>
      %dma_start3A_18 = tpu.memref_slice %arg3[%mul3A_15] : memref<262144xf32, #tpu.memory_space<hbm>> -> memref<8192xf32, #tpu.memory_space<hbm>>
      tpu.enqueue_dma source(%arg6 : memref<8192xf32, #tpu.memory_space<vmem>>) target(%dma_start3A_18 : memref<8192xf32, #tpu.memory_space<hbm>>) target_semaphore(%run_scoped3A : memref<!tpu.dma_semaphore, #tpu.memory_space<semaphore_mem>>)
      %dma_wait3A = tpu.memref_slice %arg3[%mul3A_15] : memref<262144xf32, #tpu.memory_space<hbm>> -> memref<8192xf32, #tpu.memory_space<hbm>>
      %dma_wait3A_19 = tpu.memref_slice %arg3[%mul3A_15] : memref<262144xf32, #tpu.memory_space<hbm>> -> memref<8192xf32, #tpu.memory_space<hbm>>
      tpu.wait_dma2 semaphore(%run_scoped3A : memref<!tpu.dma_semaphore, #tpu.memory_space<semaphore_mem>>) src(%arg6 : memref<8192xf32, #tpu.memory_space<vmem>>) dst(%dma_wait3A_19 : memref<8192xf32, #tpu.memory_space<hbm>>)
      tpu.yield
    }) : () -> ()
    %mul3A_16 = arith.constant 8 : i32
    %mul3A_17 = arith.muli %mul3A_2, %mul3A_16 : i32
    "tpu.region"() ({
      %run_scoped3A = tpu.sem_alloc : memref<!tpu.dma_semaphore, #tpu.memory_space<semaphore_mem>>
      %dma_start3A = tpu.memref_slice %arg4[%mul3A_17] : memref<262144xi32, #tpu.memory_space<hbm>> -> memref<8192xi32, #tpu.memory_space<hbm>>
      %dma_start3A_18 = tpu.memref_slice %arg4[%mul3A_17] : memref<262144xi32, #tpu.memory_space<hbm>> -> memref<8192xi32, #tpu.memory_space<hbm>>
      tpu.enqueue_dma source(%arg7 : memref<8192xi32, #tpu.memory_space<vmem>>) target(%dma_start3A_18 : memref<8192xi32, #tpu.memory_space<hbm>>) target_semaphore(%run_scoped3A : memref<!tpu.dma_semaphore, #tpu.memory_space<semaphore_mem>>)
      %dma_wait3A = tpu.memref_slice %arg4[%mul3A_17] : memref<262144xi32, #tpu.memory_space<hbm>> -> memref<8192xi32, #tpu.memory_space<hbm>>
      %dma_wait3A_19 = tpu.memref_slice %arg4[%mul3A_17] : memref<262144xi32, #tpu.memory_space<hbm>> -> memref<8192xi32, #tpu.memory_space<hbm>>
      tpu.wait_dma2 semaphore(%run_scoped3A : memref<!tpu.dma_semaphore, #tpu.memory_space<semaphore_mem>>) src(%arg7 : memref<8192xi32, #tpu.memory_space<vmem>>) dst(%dma_wait3A_19 : memref<8192xi32, #tpu.memory_space<hbm>>)
      tpu.yield
    }) : () -> ()
    return
  }
}

module attributes {stable_mosaic.version = 14 : i64} {
  func.func @_tc_body(%arg0: i32, %arg1: memref<4096x768xf32, #tpu.memory_space<vmem>>, %arg2: memref<768x64xf32, #tpu.memory_space<vmem>>, %arg3: memref<4096x64xf32, #tpu.memory_space<vmem>>, %arg4: memref<1x1xf32, #tpu.memory_space<smem>>, %arg5: memref<1x64xf32, #tpu.memory_space<vmem>>) attributes {dimension_semantics = [#tpu.dimension_semantics<arbitrary>], iteration_bounds = array<i64: 8>, scalar_prefetch = 0 : i64, scratch_operands = 1 : i64, tpu.core_type = #tpu.core_type<tc>, window_params = [{transform_indices = @transform_0, window_bounds = array<i64: 4096, 768>}, {pipeline_mode = #tpu.pipeline_mode<synchronous>, transform_indices = @transform_1, window_bounds = array<i64: 768, 64>}, {transform_indices = @transform_2, window_bounds = array<i64: 4096, 64>}, {transform_indices = @transform_3, window_bounds = array<i64: 1, 1>}]} {
    %get3A = arith.constant 0 : index
    %get3A_0 = arith.constant 0 : index
    %get3A_1 = vector.load %arg1[%get3A, %get3A_0] : memref<4096x768xf32, #tpu.memory_space<vmem>>, vector<4096x768xf32>
    %get3A_2 = arith.constant 0 : index
    %get3A_3 = arith.constant 0 : index
    %get3A_4 = vector.load %arg2[%get3A_2, %get3A_3] : memref<768x64xf32, #tpu.memory_space<vmem>>, vector<768x64xf32>
    %dot_general3A = arith.constant dense<0.000000e+00> : vector<4096x64xf32>
    %dot_general3A_5 = tpu.matmul %get3A_1, %get3A_4, %dot_general3A {dimension_numbers = #tpu.dot_dimension_numbers<[1], [0], [0], [1], [0, 0, 1, 1], [], []>, transpose_lhs_hint = false} : vector<4096x768xf32>, vector<768x64xf32>, vector<4096x64xf32> -> vector<4096x64xf32>
    %reduce_max3A = arith.constant dense<0xFF800000> : vector<4096xf32>
    %reduce_max3A_6 = vector.multi_reduction <maximumf>, %dot_general3A_5, %reduce_max3A [1] : vector<4096x64xf32> to vector<4096xf32>
    %broadcast_in_dim3A = vector.shape_cast %reduce_max3A_6 : vector<4096xf32> to vector<4096x1xf32>
    %sub3A = vector.broadcast %broadcast_in_dim3A : vector<4096x1xf32> to vector<4096x64xf32>
    %sub3A_7 = arith.subf %dot_general3A_5, %sub3A : vector<4096x64xf32>
    %exp3A = math.exp %sub3A_7 : vector<4096x64xf32>
    %reduce_sum3A = arith.constant dense<0.000000e+00> : vector<4096xf32>
    %reduce_sum3A_8 = vector.multi_reduction <add>, %exp3A, %reduce_sum3A [1] : vector<4096x64xf32> to vector<4096xf32>
    %broadcast_in_dim3A_9 = vector.shape_cast %reduce_sum3A_8 : vector<4096xf32> to vector<4096x1xf32>
    %div3A = vector.broadcast %broadcast_in_dim3A_9 : vector<4096x1xf32> to vector<4096x64xf32>
    %div3A_10 = arith.divf %exp3A, %div3A : vector<4096x64xf32>
    %swap3A = arith.constant 0 : index
    %swap3A_11 = arith.constant 0 : index
    %swap3A_12 = vector.load %arg3[%swap3A, %swap3A_11] : memref<4096x64xf32, #tpu.memory_space<vmem>>, vector<4096x64xf32>
    tpu.vector_store %arg3[%swap3A, %swap3A_11], %div3A_10 {strides = array<i32>} : memref<4096x64xf32, #tpu.memory_space<vmem>>, vector<4096x64xf32>,
    %reduce_sum3A_13 = arith.constant dense<0.000000e+00> : vector<64xf32>
    %reduce_sum3A_14 = vector.multi_reduction <add>, %div3A_10, %reduce_sum3A_13 [0] : vector<4096x64xf32> to vector<64xf32>
    %broadcast_in_dim3A_15 = vector.shape_cast %reduce_sum3A_14 : vector<64xf32> to vector<1x64xf32>
    %eq3A = arith.constant 0 : i32
    %eq3A_16 = arith.cmpi eq, %arg0, %eq3A : i32
    %convert_element_type3A = arith.extui %eq3A_16 : i1 to i32
    %cond3A = arith.constant 0 : i32
    %cond3A_17 = arith.cmpi ne, %convert_element_type3A, %cond3A : i32
    scf.if %cond3A_17 {
      %swap3A_27 = arith.constant 0 : index
      %swap3A_28 = arith.constant 0 : index
      %swap3A_29 = vector.load %arg5[%swap3A_27, %swap3A_28] : memref<1x64xf32, #tpu.memory_space<vmem>>, vector<1x64xf32>
      tpu.vector_store %arg5[%swap3A_27, %swap3A_28], %broadcast_in_dim3A_15 {strides = array<i32>} : memref<1x64xf32, #tpu.memory_space<vmem>>, vector<1x64xf32>,
    } else {
    }
    %gt3A = arith.constant 0 : i32
    %gt3A_18 = arith.cmpi sgt, %arg0, %gt3A : i32
    %convert_element_type3A_19 = arith.extui %gt3A_18 : i1 to i32
    %cond3A_20 = arith.constant 0 : i32
    %cond3A_21 = arith.cmpi ne, %convert_element_type3A_19, %cond3A_20 : i32
    scf.if %cond3A_21 {
      %get3A_27 = arith.constant 0 : index
      %get3A_28 = arith.constant 0 : index
      %get3A_29 = vector.load %arg5[%get3A_27, %get3A_28] : memref<1x64xf32, #tpu.memory_space<vmem>>, vector<1x64xf32>
      %add3A = arith.addf %get3A_29, %broadcast_in_dim3A_15 : vector<1x64xf32>
      %swap3A_30 = arith.constant 0 : index
      %swap3A_31 = arith.constant 0 : index
      %swap3A_32 = vector.load %arg5[%swap3A_30, %swap3A_31] : memref<1x64xf32, #tpu.memory_space<vmem>>, vector<1x64xf32>
      tpu.vector_store %arg5[%swap3A_30, %swap3A_31], %add3A {strides = array<i32>} : memref<1x64xf32, #tpu.memory_space<vmem>>, vector<1x64xf32>,
    } else {
    }
    %eq3A_22 = arith.constant 7 : i32
    %eq3A_23 = arith.cmpi eq, %arg0, %eq3A_22 : i32
    %convert_element_type3A_24 = arith.extui %eq3A_23 : i1 to i32
    %cond3A_25 = arith.constant 0 : i32
    %cond3A_26 = arith.cmpi ne, %convert_element_type3A_24, %cond3A_25 : i32
    scf.if %cond3A_26 {
      %get3A_27 = arith.constant 0 : index
      %get3A_28 = arith.constant 0 : index
      %get3A_29 = vector.load %arg5[%get3A_27, %get3A_28] : memref<1x64xf32, #tpu.memory_space<vmem>>, vector<1x64xf32>
      %reduce_sum3A_30 = vector.shape_cast %get3A_29 : vector<1x64xf32> to vector<1x1x64xf32>
      %reduce_sum3A_31 = arith.constant dense<0.000000e+00> : vector<1xf32>
      %reduce_sum3A_32 = vector.multi_reduction <add>, %reduce_sum3A_30, %reduce_sum3A_31 [1, 2] : vector<1x1x64xf32> to vector<1xf32>
      %reduce_sum3A_33 = vector.shape_cast %reduce_sum3A_32 : vector<1xf32> to vector<1x1x1xf32>
      %reduce_sum3A_34 = vector.extract %reduce_sum3A_33[0, 0, 0] : f32 from vector<1x1x1xf32>
      %div3A_35 = arith.constant 6.400000e+01 : f32
      %div3A_36 = arith.divf %reduce_sum3A_34, %div3A_35 : f32
      %sub3A_37 = vector.broadcast %div3A_36 : f32 to vector<1x64xf32>
      %sub3A_38 = arith.subf %get3A_29, %sub3A_37 : vector<1x64xf32>
      %integer_pow3A = arith.mulf %sub3A_38, %sub3A_38 : vector<1x64xf32>
      %reduce_sum3A_39 = vector.shape_cast %integer_pow3A : vector<1x64xf32> to vector<1x1x64xf32>
      %reduce_sum3A_40 = arith.constant dense<0.000000e+00> : vector<1xf32>
      %reduce_sum3A_41 = vector.multi_reduction <add>, %reduce_sum3A_39, %reduce_sum3A_40 [1, 2] : vector<1x1x64xf32> to vector<1xf32>
      %reduce_sum3A_42 = vector.shape_cast %reduce_sum3A_41 : vector<1xf32> to vector<1x1x1xf32>
      %reduce_sum3A_43 = vector.extract %reduce_sum3A_42[0, 0, 0] : f32 from vector<1x1x1xf32>
      %div3A_44 = arith.constant 6.300000e+01 : f32
      %div3A_45 = arith.divf %reduce_sum3A_43, %div3A_44 : f32
      %add3A = arith.constant 9.99999997E-7 : f32
      %add3A_46 = arith.addf %div3A_36, %add3A : f32
      %integer_pow3A_47 = arith.mulf %add3A_46, %add3A_46 : f32
      %div3A_48 = arith.divf %div3A_45, %integer_pow3A_47 : f32
      %swap3A_49 = arith.constant 0 : index
      %swap3A_50 = arith.constant 0 : index
      %swap3A_51 = memref.load %arg4[%swap3A_49, %swap3A_50] : memref<1x1xf32, #tpu.memory_space<smem>>
      memref.store %div3A_48, %arg4[%swap3A_49, %swap3A_50] : memref<1x1xf32, #tpu.memory_space<smem>>
    } else {
    }
    return
  }
  func.func @transform_0(%arg0: i32) -> (i32, i32) {
    %c0_i32 = arith.constant 0 : i32
    %c0_i32_0 = arith.constant 0 : i32
    return %arg0, %c0_i32 : i32, i32
  }
  func.func @transform_1(%arg0: i32) -> (i32, i32) {
    %c0_i32 = arith.constant 0 : i32
    %c0_i32_0 = arith.constant 0 : i32
    %c0_i32_1 = arith.constant 0 : i32
    return %c0_i32, %c0_i32_0 : i32, i32
  }
  func.func @transform_2(%arg0: i32) -> (i32, i32) {
    %c0_i32 = arith.constant 0 : i32
    %c0_i32_0 = arith.constant 0 : i32
    return %arg0, %c0_i32 : i32, i32
  }
  func.func @transform_3(%arg0: i32) -> (i32, i32) {
    %c0_i32 = arith.constant 0 : i32
    %c0_i32_0 = arith.constant 0 : i32
    %c0_i32_1 = arith.constant 0 : i32
    return %c0_i32, %c0_i32_0 : i32, i32
  }
}

</mosaic_0001>

<sc_bundles>
// kernel: kernel.4.cloned.1.call-start
scs
__scs_entry_jumppad:
0x0: {  	(pc) =	sbr.rel $0x88, $3  }
0x1: {  	(tag) =	ssettag $0x0;
	lr =	simm.s32 $0x1  }
0x2: {  	[smem:$0x3F9F] =	sst lr;
	_ =	strace $0xD0000000  }
0x3: {  	_ = 	snop  }
0x4: {  	_ = 	snop  }
0x5: {  	_ = 	snop  }
0x6: {  	_ = 	snop  }
0x7: {  	_ = 	snop  }
__scs_overlays_trampoline_lowered:
0x8: {  	[smem:$0x3FAE] =	sst s0  }
0x9: {  	[smem:$0x3FAF] =	sst s1  }
0xa: {  	[smem:$0x3FB0] =	sst s2  }
0xb: {  	[smem:$0x3FB1] =	sst s3  }
0xc: {  	[smem:$0x3FB2] =	sst s4  }
0xd: {  	[smem:$0x3FB3] =	sst s5  }
0xe: {  	[smem:$0x3FB4] =	sst s6  }
0xf: {  	[smem:$0x3FB5] =	sst s7  }
0x10: {  	[smem:$0x3FB6] =	sst s8  }
0x11: {  	[smem:$0x3FB7] =	sst s9;
	s0 =	simm.s32 @!p0 $0x0  }
0x12: {  	s1 =	sld [smem:$0x3F9D];
	s0 =	simm.s32 @p0 $0x1  }
0x13: {  	[smem:$0x3FB8] =	sst s0;
	s0 =	simm.s32 @!p1 $0x0  }
0x14: {  	s2 =	sld [smem:$0x3F9C];
	s0 =	simm.s32 @p1 $0x1  }
0x15: {  	[smem:$0x3FB9] =	sst s0;
	s0 =	simm.s32 @!p2 $0x0  }
0x16: {  	s3 =	sld [smem:$0x3FDB];
	s0 =	simm.s32 @p2 $0x1  }
0x17: {  	s4 =	simm.s32 $0x1BF5;
	[smem:$0x3FBB] =	sst s0  }
0x18: {  	s0 =	sld [smem:$0x3F9E];
	_ =	swait.ge [sflag:s4], $0x0  }
0x19: {  	s7 =	sld [smem:$0x3F9F]  }
0x1a: {  	s8 =	sadd.s32 $0xFFFFE003, lr  }
0x1b: {  	s9 =	sadd.s32 $0xFFFFFEF7, lr;
	s5 =	simm.s32 $0xFFFFFFFF;
	p2 =	slt.u32 s8, $0xFFFFF086  }
0x1c: {  	p1 =	slt.u32 s9, $0xF7A;
	s5 =	simm.s32 @!p2 $0x0  }
0x1d: {  	s5 =	simm.s32 @p1 $0x1;
	p0 =	seq.s32 s7, s2  }
0x1e: {  	s7 =	smul.u32 @!p0 $0xF7A, s2;
	p2 =	seq.s32 @!p0 s5, $0x0  }
0x1f: {  	s9 =	smul.u32 $0xF7A, s1;
	s8 =	simm.s32 @!p0 $0x1BF5;
	p2 =	por !p2, p0  }
0x20: {  	[sflag:s8] =	ssyncset.s32 @!p0 $0xFFFFF086;
	s6 =	sadd.s32 @!p0 s3, s7;
	s7 =	simm.s32 @!p0 $0x108  }
0x21: {  	s3 =	sadd.s32 s3, s9;
	s6 =	sadd.s32 @!p0 $0x88, s6;
	s7 =	simm.s32 @p2 $0x1082  }
0x22: {  	[simem:s7], [sflag:s8] =	dma.local @!p0 [hbm:s6], $0xF7A  }
0x23: {  	s9 =	sor.u32 $0xD0000000, s2;
	s6 =	simm.s32 $0x108;
	_ =	swait.ge @!p0 [sflag:s8], $0x0  }
0x24: {  	s3 =	sadd.s32 $0x88, s3;
	s6 =	simm.s32 @!p1 $0x1082;
	[sflag:s4] =	ssyncset.s32 $0xFFFFF086  }
0x25: {  	[simem:s6], [sflag:s4] =	dma.local [hbm:s3], $0xF7A  }
0x26: {  	[smem:$0x3F9F] =	sst s1;
	(tag) =	ssettag s2;
	_ =	strace s9  }
0x27: {  	s1 =	sld [smem:$0x3FAF]  }
0x28: {  	s2 =	sld [smem:$0x3FB0]  }
0x29: {  	s4 =	sld [smem:$0x3FB2]  }
0x2a: {  	p0 =	seq.s32 s5, $0x0;
	s5 =	sld [smem:$0x3FB3]  }
0x2b: {  	s6 =	sld [smem:$0x3FB4]  }
0x2c: {  	s7 =	sld [smem:$0x3FB5]  }
0x2d: {  	s3 =	simm.s32 $0x108;
	s8 =	sld [smem:$0x3FB6]  }
0x2e: {  	s3 =	simm.s32 @!p0 $0x1082;
	s9 =	sld [smem:$0x3FB7]  }
0x2f: {  	lr =	sadd.s32 s0, s3;
	s0 =	sld [smem:$0x3FAE]  }
0x30: {  	s3 =	sld [smem:$0x3FB1]  }
0x31: {  	[smem:$0x3FBA] =	sst s10  }
0x32: {  	s10 =	sld [smem:$0x3FB8];
	_ =	sdelay $0x3  }
0x33: {  	p0 =	seq.s32 s10, $0x1;
	s10 =	sld [smem:$0x3FBA];
	_ =	sdelay $0x3  }
0x34: {  	[smem:$0x3FBA] =	sst s10  }
0x35: {  	s10 =	sld [smem:$0x3FB9];
	_ =	sdelay $0x3  }
0x36: {  	p1 =	seq.s32 s10, $0x1;
	s10 =	sld [smem:$0x3FBA];
	_ =	sdelay $0x3  }
0x37: {  	[smem:$0x3FBA] =	sst s10  }
0x38: {  	s10 =	sld [smem:$0x3FBB]  }
0x39: {  	_ = 	snop;
	(pc) =	sbr.ind lr, $3  }
0x3a: {  	_ = 	snop  }
0x3b: {  	_ = 	snop  }
0x3c: {  	p2 =	seq.s32 s10, $0x1;
	s10 =	sld [smem:$0x3FBA]  }
0x3d: {  	_ =	shalt  }
0x3e: {  	_ =	shalt  }
0x3f: {  	_ =	shalt  }
0x40: {  	_ =	shalt  }
0x41: {  	_ =	shalt  }
0x42: {  	_ =	shalt  }
0x43: {  	_ =	shalt  }
0x44: {  	_ =	shalt  }
0x45: {  	_ =	shalt  }
0x46: {  	_ =	shalt  }
0x47: {  	_ =	shalt  }
0x48: {  	_ =	shalt  }
0x49: {  	_ =	shalt  }
0x4a: {  	_ =	shalt  }
0x4b: {  	_ =	shalt  }
0x4c: {  	_ =	shalt  }
0x4d: {  	_ =	shalt  }
0x4e: {  	_ =	shalt  }
0x4f: {  	_ =	shalt  }
0x50: {  	_ =	shalt  }
0x51: {  	_ =	shalt  }
0x52: {  	_ =	shalt  }
0x53: {  	_ =	shalt  }
0x54: {  	_ =	shalt  }
0x55: {  	_ =	shalt  }
0x56: {  	_ =	shalt  }
0x57: {  	_ =	shalt  }
0x58: {  	_ =	shalt  }
0x59: {  	_ =	shalt  }
0x5a: {  	_ =	shalt  }
0x5b: {  	_ =	shalt  }
0x5c: {  	_ =	shalt  }
0x5d: {  	_ =	shalt  }
0x5e: {  	_ =	shalt  }
0x5f: {  	_ =	shalt  }
0x60: {  	_ =	shalt  }
0x61: {  	_ =	shalt  }
0x62: {  	_ =	shalt  }
0x63: {  	_ =	shalt  }
0x64: {  	_ =	shalt  }
0x65: {  	_ =	shalt  }
0x66: {  	_ =	shalt  }
0x67: {  	_ =	shalt  }
0x68: {  	_ =	shalt  }
0x69: {  	_ =	shalt  }
0x6a: {  	_ =	shalt  }
0x6b: {  	_ =	shalt  }
0x6c: {  	_ =	shalt  }
0x6d: {  	_ =	shalt  }
0x6e: {  	_ =	shalt  }
0x6f: {  	_ =	shalt  }
0x70: {  	_ =	shalt  }
0x71: {  	_ =	shalt  }
0x72: {  	_ =	shalt  }
0x73: {  	_ =	shalt  }
0x74: {  	_ =	shalt  }
0x75: {  	_ =	shalt  }
0x76: {  	_ =	shalt  }
0x77: {  	_ =	shalt  }
0x78: {  	_ =	shalt  }
0x79: {  	_ =	shalt  }
0x7a: {  	_ =	shalt  }
0x7b: {  	_ =	shalt  }
0x7c: {  	_ =	shalt  }
0x7d: {  	_ =	shalt  }
0x7e: {  	_ =	shalt  }
0x7f: {  	_ =	shalt  }
0x80: {  	_ =	shalt  }
0x81: {  	_ =	shalt  }
0x82: {  	_ =	shalt  }
0x83: {  	_ =	shalt  }
0x84: {  	_ =	shalt  }
0x85: {  	_ =	shalt  }
0x86: {  	_ =	shalt  }
0x87: {  	_ =	shalt  }
.Lfunc_end0:
.L_simem_size_0:
called_computation_lowered:
.L_overlay_start_0:
0x88: {  	s2 =	sld [smem:$0x3FD9]  }
0x89: {  	s3 =	sld [smem:$0x3FFE];
	_ =	sdelay $0x1  }
0x8a: {  	s1 =	srdreg.scid  }
0x8b: {  	s0 =	sand.u32 $0x1, s1  }
0x8c: {  	s14 =	sshll.u32 s0, $0xA;
	s2 =	sadd.s32 s3, s2  }
0x8d: {  	s2 =	sadd.s32 s2, s14  }
0x8e: {  	[smem:$0x3FC6] =	sst s2  }
0x8f: {  	_ = 	snop  }
0x90: {  	s2 =	sld [smem:$0x3FD0];
	_ =	sdelay $0x2  }
0x91: {  	s15 =	simm.s32 $0xA;
	s4 =	simm.s32 $0x10  }
0x92: {  	[smem:s4], [sflag:s15] =	dma.local [hbm:s2], $0x1  }
0x93: {  	_ =	swait.eq [sflag:s15], $0x1  }
0x94: {  	[sflag:s15] =	ssyncset.done $0x0  }
0x95: {  	[sflag:s15] =	ssyncadd.s32 $0xFFFFFFFF  }
0x96: {  	s16 =	sld [smem:$0x11];
	(tm) =	ssettm $0x1  }
0x97: {  	s17 =	sld [smem:$0x3FFB];
	_ =	sdelay $0x3  }
0x98: {  	_ =	strace s17  }
0x99: {  	s3 =	sld [smem:$0x3FFC];
	_ =	sdelay $0x3  }
0x9a: {  	_ =	strace s3  }
0x9b: {  	s3 =	sld [smem:$0x3FFD];
	_ =	sdelay $0x3  }
0x9c: {  	_ =	strace s3  }
0x9d: {  	_ =	strace $0x8FFFFFFF  }
0x9e: {  	s18 =	sld [smem:$0x3FDB];
	_ =	sdelay $0x1  }
0x9f: {  	s19 =	simm.s32 $_scs_section_size  }
0xa0: {  	s5 =	simm.s32 $_size__tile_overlayer_lowered;
	s6 =	simm.s32 $_tile_overlayer_lowered  }
0xa1: {  	s22 =	simm.s32 $0x1BFF;
	s21 =	sshll.u32 s6, $0x1;
	s3 =	sadd.s32 s19, s18  }
0xa2: {  	s7 =	simm.s32 $0x0;
	s20 =	sshll.u32 s5, $0x1;
	s5 =	sadd.s32 s21, s3  }
0xa3: {  	[timem:s7], [sflag:s22] =	dma.local [hbm:s5], s20  }
0xa4: {  	_ =	swait.ge [sflag:s22], s20  }
0xa5: {  	s4 =	ssub.s32 $0x0, s20;
	[sflag:s22] =	ssyncset.done $0x0  }
0xa6: {  	[sflag:s22] =	ssyncadd.s32 s4;
	_ =	sdelay $0x1  }
0xa7: {  	s23 =	simm.s32 $0x1B8B  }
0xa8: {  	_ =	swait.ge [sflag:s23], $0x1  }
0xa9: {  	[sflag:s23] =	ssyncset.done $0x0  }
0xaa: {  	s25 =	simm.s32 $0x1B8E;
	s24 =	sld [smem:$0x3FFE];
	[sflag:s23] =	ssyncadd.s32 $0xFFFFFFFF  }
0xab: {  	s26 =	simm.s32 $execute0_lowered;
	[smem:$0x3FD2] =	sst s25  }
0xac: {  	s5 =	sshll.u32 s26, $0x1;
	_ =	strace $0x80000046;
	[dreg:$0x1] =	wrdreg $0xFFFFFFFF  }
0xad: {  	s28 =	simm.s32 $_size_execute0_lowered;
	s3 =	sadd.s32 s3, s5;
	[dreg:$0x0] =	wrdreg $0x0  }
0xae: {  	s5 =	sshll.u32 s28, $0x1;
	[dreg:$0x2] =	wrdreg s3  }
0xaf: {  	[dreg:$0x3] =	wrdreg s5  }
0xb0: {  	[dreg:$0x4] =	wrdreg $0xC0  }
0xb1: {  	_ =	task [dreg:s7], $0x5FFFF  }
0xb2: {  	[dreg:$0x1] =	wrdreg $0xFFFFFFFF  }
0xb3: {  	[dreg:$0x0] =	wrdreg $0x60  }
0xb4: {  	[dreg:$0x2] =	wrdreg s24  }
0xb5: {  	[dreg:$0x3] =	wrdreg s16  }
0xb6: {  	[dreg:$0x4] =	wrdreg $0x9  }
0xb7: {  	_ =	task.clear_ibuf [dreg:s7], $0x5FFFF;
	_ =	strace $0x90000046  }
0xb8: {  	s29 =	simm.s32 $0x9;
	_ =	strace $0x80000048  }
0xb9: {  	_ =	swait.ge [sflag:s29], $0x1  }
0xba: {  	[sflag:s29] =	ssyncadd.s32 $0xFFFFFFFF  }
0xbb: {  	_ =	strace $0x90000048  }
0xbc: {  	_ =	sfence  }
0xbd: {  	s30 =	sld [smem:$0x0];
	_ =	sdelay $0x2  }
0xbe: {  	s31 =	sshll.u32 s1, $0xD;
	s1 =	sshrl.u32 s1, $0x2  }
0xbf: {  	s3 =	sand.u32 $0x4000, s31;
	s1 =	sadd.s32 s1, s30  }
0xc0: {  	s0 =	sor.u32 s3, s0;
	s1 =	sshll.u32 s1, $0x11  }
0xc1: {  	s0 =	sor.u32 s1, s0  }
0xc2: {  	s0 =	sadd.s32 $0x8F2B, s0  }
0xc3: {  	[sflag:s0] =	ssyncadd.remote.s32 $0x1  }
0xc4: {  	_ =	sfence.sel $0xFFFF  }
0xc5: {  	[dreg:$0x0] =	wrdreg $0xFFFFFFFF;
	(pc) =	sbr.abs _section_cstart, $3  }
0xc6: {  	[dreg:$0x1] =	wrdreg $0xFFFFFFFF  }
0xc7: {  	_ =	task.clear_ibuf [dreg:s7], $0x2FFFF;
	_ =	strace $0x9FFFFFFF  }
0xc8: {  	(tm) =	ssettm $0x7FFFFFFF  }
0xc9: {  	_ =	shalt  }
tec
execute0_lowered:
.L_overlay_start_1:
0x0: {  	(tag) =	ssettag $0x1  }
0x1: {  	s3 =	rddreg [dreg:$0x0]  }
0x2: {  	s4 =	rddreg [dreg:$0x1]  }
0x3: {  	s0 =	rddreg [dreg:$0x2]  }
0x4: {  	s5 =	srdreg.scid;
	s1 =	stileid.u32  }
0x5: {  	s2 =	simm.s32 $0x0;
	s5 =	sand.u32 $0x1, s5;
	s6 =	sshll.u32 s1, $0x1  }
0x6: {  	s10 =	simm.s32 $0x0;
	[smem:$0x7FF] =	sst s2;
	s6 =	sor.u32 s5, s6  }
0x7: {  	_ =	strace $0x80000047;
	s5 =	ssub.s32 $0x2, s5;
	s7 =	sshll.u32 s6, $0xD  }
0x8: {  	s6 =	sshll.u32 s6, $0xA;
	s31 =	sshrl.u32 s5, $0x1;
	s7 =	sadd.s32 s7, s3  }
0x9: {  	v0 =	vlaneseq.u32;
	s8 =	sadd.s32 s6, s3;
	s9 =	ssub.s32 s5, s31;
	s4 =	sadd.s32 s4, s6  }
0xa: {  	v4 =	vimm.s32 $0x0;
	vm0 =	vmmov $0xff;
	v1 =	vor.u32 $0x10, v0;
	s3 =	sadd.s32 $0xC00, s7;
	s5 =	sadd.s32 $0x40C00, s8;
	s6 =	smax.u32 s9, $0x1  }
0xb: {  	v2 =	vor.u32 $0x20, v0;
	v3 =	vor.u32 $0x30, v0;
	v5 =	vand.u32 $0x7, v0;
	s7 =	simm.s32 $0x1;
	s8 =	simm.s32 $0x10000;
	s9 =	simm.s32 $0x12000  }
.LBB2_1:
0xc: {  	[tilespmem:s2], [sflag:$0x1] =	stream.linear.gather [hbm4b:s3+s2], $0x10000, $0x38;
	[tilespmem:$0x14000] =	vst v63  }
0xd: {  	_ =	swait.ge [sflag:s7], $0x10000  }
0xe: {  	[sflag:s7] =	ssyncset.done $0x0  }
0xf: {  	s11 =	simm.s32 $0x100;
	[sflag:s7] =	ssyncadd.s32 $0xFFFF0000  }
0x10: {  	v6 =	vld [tilespmem:s11+$0x80]  }
0x11: {  	v7 =	vld [tilespmem:s11+$0x90]  }
0x12: {  	v8 =	vld [tilespmem:s11+$0xA0]  }
0x13: {  	v9 =	vld [tilespmem:s11+$0xB0]  }
0x14: {  	v10 =	vld [tilespmem:s11+$0xC0]  }
0x15: {  	v11 =	vld [tilespmem:s11+$0xD0];
	(xrf1) =	vsort.dscd.msk.f32 $0xffff, v6, v0  }
0x16: {  	v6 =	vld [tilespmem:s11+$0xE0];
	(xrf1) =	vsort.ascd.msk.f32 $0xffff, v7, v1  }
0x17: {  	v7 =	vld [tilespmem:s11+$0xF0];
	(xrf1) =	vsort.dscd.msk.f32 $0xffff, v8, v2  }
0x18: {  	v8 =	vld [tilespmem:s11+$0xFFFFFF40];
	(xrf1) =	vsort.ascd.msk.f32 $0xffff, v9, v3  }
0x19: {  	v9 =	vld [tilespmem:s11+$0xFFFFFF50];
	(xrf1) =	vsort.dscd.msk.f32 $0xffff, v10, v0  }
0x1a: {  	v10 =	vld [tilespmem:s11+$0xFFFFFF60];
	(xrf1) =	vsort.ascd.msk.f32 $0xffff, v11, v1  }
0x1b: {  	v11 =	vld [tilespmem:s11+$0xFFFFFF70];
	(xrf1) =	vsort.dscd.msk.f32 $0xffff, v6, v2  }
0x1c: {  	v6 =	vld [tilespmem:s11+$0xFFFFFFC0];
	(xrf1) =	vsort.ascd.msk.f32 $0xffff, v7, v3  }
0x1d: {  	v7 =	vld [tilespmem:s11+$0xFFFFFFD0];
	(xrf1) =	vsort.dscd.msk.f32 $0xffff, v8, v0  }
0x1e: {  	v8 =	vld [tilespmem:s11+$0xFFFFFFE0];
	(xrf1) =	vsort.ascd.msk.f32 $0xffff, v9, v1  }
0x1f: {  	v9 =	vld [tilespmem:s11+$0xFFFFFFF0];
	(xrf1) =	vsort.dscd.msk.f32 $0xffff, v10, v2  }
0x20: {  	v10 =	vld [tilespmem:s11+$0x40];
	(xrf1) =	vsort.ascd.msk.f32 $0xffff, v11, v3  }
0x21: {  	v11 =	vld [tilespmem:s11+$0x50];
	(xrf1) =	vsort.dscd.msk.f32 $0xffff, v6, v0  }
0x22: {  	(xrf1) =	vsort.ascd.msk.f32 $0xffff, v7, v1  }
0x23: {  	v6 =	vld [tilespmem:s11+$0x60];
	(xrf1) =	vsort.dscd.msk.f32 $0xffff, v8, v2;
	v7, v8, _ =	vpop (xrf1)  }
0x24: {  	(xrf1) =	vsort.ascd.msk.f32 $0xffff, v9, v3;
	v9, v12, _ =	vpop (xrf1)  }
0x25: {  	(xrf1) =	vsort.dscd.msk.f32 $0xffff, v10, v0;
	v10, v13, _ =	vpop (xrf1)  }
0x26: {  	vm1 =	vge.f32 v7, v9;
	(xrf1) =	vsort.ascd.msk.f32 $0xffff, v11, v1;
	v11, v14, _ =	vpop (xrf1)  }
0x27: {  	v7 =	vsel vm1, v7, v9;
	v8 =	vsel vm1, v8, v12;
	vm1 =	vge.f32 v10, v11  }
0x28: {  	(xrf1) =	vsort.dscd.msk.f32 $0xffff, v6, v2;
	v6, v15, _ =	vpop (xrf1);
	v10 =	vsel vm1, v10, v11;
	v11 =	vsel vm1, v13, v14  }
0x29: {  	v9, v12, _ =	vpop (xrf1)  }
0x2a: {  	(xrf1) =	vsort.dscd.msk.f32 $0xffff, v7, v8;
	v8, v13, _ =	vpop (xrf1)  }
0x2b: {  	v7 =	vld [tilespmem:s11+$0x70];
	(xrf1) =	vsort.ascd.msk.f32 $0xffff, v10, v11;
	vm1 =	vge.f32 v6, v9;
	v11, v14, _ =	vpop (xrf1)  }
0x2c: {  	v10 =	vld [tilespmem:s11+$0xFFFFFF10];
	v6 =	vsel vm1, v6, v9;
	v9 =	vsel vm1, v15, v12;
	vm1 =	vge.f32 v8, v11  }
0x2d: {  	v16 =	vld [tilespmem:s11+$0xFFFFFF20];
	v12, v15, _ =	vpop (xrf1);
	v8 =	vsel vm1, v8, v11;
	v11 =	vsel vm1, v13, v14  }
0x2e: {  	v17 =	vld [tilespmem:s11+$0xFFFFFF30];
	(xrf1) =	vsort.dscd.msk.f32 $0xffff, v6, v9;
	v13, v14, _ =	vpop (xrf1)  }
0x2f: {  	v6 =	vld [tilespmem:s11+$0xFFFFFF80];
	v9, v18, _ =	vpop (xrf1);
	(xrf1) =	vsort.ascd.msk.f32 $0xffff, v8, v11  }
0x30: {  	v8 =	vld [tilespmem:s11+$0xFFFFFF90];
	(xrf1) =	vsort.ascd.msk.f32 $0xffff, v7, v3;
	v11, v19, _ =	vpop (xrf1)  }
0x31: {  	v7 =	vld [tilespmem:s11+$0xFFFFFF00];
	(xrf1) =	vsort.ascd.msk.f32 $0xffff, v10, v1;
	v10, v20, _ =	vpop (xrf1)  }
0x32: {  	v21 =	vld [tilespmem:s11+$0xFFFFFFA0];
	(xrf1) =	vsort.dscd.msk.f32 $0xffff, v16, v2;
	v16, v22, _ =	vpop (xrf1)  }
0x33: {  	v23 =	vld [tilespmem:s11+$0xFFFFFFB0];
	(xrf1) =	vsort.ascd.msk.f32 $0xffff, v17, v3;
	v17, v24, _ =	vpop (xrf1)  }
0x34: {  	v25 =	vld [tilespmem:s11+$0x0];
	(xrf1) =	vsort.dscd.msk.f32 $0xffff, v6, v0;
	v6, v26, _ =	vpop (xrf1)  }
0x35: {  	(xrf1) =	vsort.ascd.msk.f32 $0xffff, v8, v1;
	v8, v28, _ =	vpop (xrf1)  }
0x36: {  	(xrf1) =	vsort.dscd.msk.f32 $0xffff, v7, v0;
	v7, v30, _ =	vpop (xrf1)  }
0x37: {  	v27 =	vld [tilespmem:s11+$0x10];
	(xrf1) =	vsort.dscd.msk.f32 $0xffff, v21, v2;
	v21, v32, _ =	vpop (xrf1)  }
0x38: {  	v29 =	vld [tilespmem:s11+$0x20];
	(xrf1) =	vsort.ascd.msk.f32 $0xffff, v23, v3;
	v23, v33, _ =	vpop (xrf1)  }
0x39: {  	v31 =	vld [tilespmem:s11+$0x30];
	(xrf1) =	vsort.dscd.msk.f32 $0xffff, v25, v0;
	v25, v34, _ =	vpop (xrf1)  }
0x3a: {  	vm1 =	vge.f32 v12, v13;
	vm2 =	vge.f32 v23, v25  }
0x3b: {  	v12 =	vsel vm1, v12, v13;
	v13 =	vsel vm2, v23, v25  }
0x3c: {  	(xrf1) =	vsort.ascd.msk.f32 $0xffff, v27, v1  }
0x3d: {  	v14 =	vsel vm1, v15, v14;
	(xrf1) =	vsort.dscd.msk.f32 $0xffff, v29, v2  }
0x3e: {  	v23 =	vsel vm2, v33, v34;
	vm2 =	vge.f32 v9, v11;
	(xrf1) =	vsort.ascd.msk.f32 $0xffff, v31, v3;
	v25, v27, _ =	vpop (xrf1)  }
0x3f: {  	v9 =	vsel vm2, v9, v11;
	(xrf1) =	vsort.dscd.msk.f32 $0xffff, v13, v23;
	v11, v13, _ =	vpop (xrf1)  }
0x40: {  	v15 =	vsel vm2, v18, v19;
	vm2 =	vge.f32 v25, v11  }
0x41: {  	vm1 =	vge.f32 v10, v16;
	v18, v19, _ =	vpop (xrf1);
	(xrf1) =	vsort.dscd.msk.f32 $0xffff, v12, v14;
	v12 =	vsel vm2, v27, v13  }
0x42: {  	v10 =	vsel vm1, v10, v16;
	v11 =	vsel vm2, v25, v11;
	v13, v14, _ =	vpop (xrf1)  }
0x43: {  	vm2 =	vge.f32 v17, v6;
	v16, v23, _ =	vpop (xrf1);
	(xrf1) =	vsort.dscd.msk.f32 $0xffff, v11, v12;
	v11 =	vsel vm1, v20, v22  }
0x44: {  	v6 =	vsel vm2, v17, v6;
	vm1 =	vge.f32 v8, v7;
	v12, v17, _ =	vpop (xrf1)  }
0x45: {  	v20 =	vsel vm2, v24, v26;
	vm2 =	vge.f32 v21, v18;
	v7 =	vsel vm1, v8, v7;
	v8, v22, _ =	vpop (xrf1)  }
0x46: {  	v24 =	vsel vm1, v28, v30;
	v18 =	vsel vm2, v21, v18;
	(xrf1) =	vsort.ascd.msk.f32 $0xffff, v9, v15;
	v9, v15, _ =	vpop (xrf1)  }
0x47: {  	v19 =	vsel vm2, v32, v19;
	vm1 =	vge.f32 v16, v12;
	(xrf1) =	vsort.dscd.msk.f32 $0xffff, v10, v11;
	v10, v11, _ =	vpop (xrf1)  }
0x48: {  	v12 =	vsel vm1, v16, v12;
	(xrf1) =	vsort.ascd.msk.f32 $0xffff, v6, v20;
	vm2 =	vge.f32 v10, v13  }
0x49: {  	v16 =	vsel vm1, v23, v17;
	v6, v17, _ =	vpop (xrf1);
	(xrf1) =	vsort.dscd.msk.f32 $0xffff, v7, v24;
	v10 =	vsel vm2, v10, v13  }
0x4a: {  	vm1 =	vge.f32 v8, v9;
	(xrf1) =	vsort.ascd.msk.f32 $0xffff, v18, v19;
	v11 =	vsel vm2, v11, v14  }
0x4b: {  	v7, v20, _ =	vpop (xrf1);
	(xrf1) =	vsort.dscd.msk.f32 $0xffff, v10, v11;
	v11 =	vsel vm1, v22, v15  }
0x4c: {  	v8 =	vsel vm1, v8, v9;
	v13, v14, _ =	vpop (xrf1)  }
0x4d: {  	vm2 =	vge.f32 v6, v7;
	v9, v10, _ =	vpop (xrf1)  }
0x4e: {  	v6 =	vsel vm2, v6, v7;
	(xrf1) =	vsort.ascd.msk.f32 $0xffff, v12, v16;
	v7, v12, _ =	vpop (xrf1)  }
0x4f: {  	(xrf1) =	vsort.dscd.msk.f32 $0xffff, v8, v11;
	vm1 =	vge.f32 v13, v9;
	v8, v11, _ =	vpop (xrf1)  }
0x50: {  	v9 =	vsel vm1, v13, v9;
	v10 =	vsel vm1, v14, v10;
	vm1 =	vge.f32 v7, v8  }
0x51: {  	v15 =	vsel vm2, v17, v20;
	v7 =	vsel vm1, v7, v8  }
0x52: {  	(xrf1) =	vsort.ascd.msk.f32 $0xffff, v6, v15;
	v6, v17, _ =	vpop (xrf1)  }
0x53: {  	(xrf1) =	vsort.dscd.msk.f32 $0xffff, v9, v10;
	v9 =	vperm.xlane v6, v4;
	v8 =	vsel vm1, v12, v11;
	v10, v11, _ =	vpop (xrf1)  }
0x54: {  	(xrf1) =	vsort.ascd.msk.f32 $0xffff, v7, v8;
	v7, v18, _ =	vpop (xrf1)  }
0x55: {  	v6 =	vsub.f32 v6, v9;
	v8 =	vperm.xlane v7, v4;
	_ =	sdelay $0x1  }
0x56: {  	v6 =	vmul.f32 $1.442695020e+00, v6;
	v7 =	vsub.f32 v7, v8;
	_ =	sdelay $0x1  }
0x57: {  	v9, v12, _ =	vpop (xrf1);
	v7 =	vmul.f32 $1.442695020e+00, v7  }
0x58: {  	vm1 =	vge.f32 v10, v9;
	(erf) = vpow2.f32 v6;
	v8, v13, _ =	vpop (xrf1)  }
0x59: {  	v6, v14, _ =	vpop (xrf1);
	(erf) = vpow2.f32 v7;
	v7 =	vsel vm1, v10, v9;
	v9 =	vsel vm1, v11, v12  }
0x5a: {  	v15, v16, _ =	vpop (xrf1)  }
0x5b: {  	v19, v20, _ =	vpop (xrf1)  }
0x5c: {  	vm1 =	vge.f32 v8, v6;
	v10, v11, _ =	vpop (xrf1)  }
0x5d: {  	(xrf1) =	vsort.dscd.msk.f32 $0xffff, v7, v9;
	v6 =	vsel vm1, v8, v6;
	v8 =	vsel vm1, v13, v14;
	v7, v9, _ =	vpop (xrf1)  }
0x5e: {  	vm1 =	vge.f32 v15, v19;
	v12, v13, _ =	vpop (xrf1);
	(xrf1) =	vsort.dscd.msk.f32 $0xffff, v6, v8  }
0x5f: {  	v6 =	vsel vm1, v15, v19;
	v8 =	vsel vm1, v16, v20;
	vm1 =	vge.f32 v10, v7  }
0x60: {  	v9 =	vsel vm1, v11, v9  }
0x61: {  	v14, v15, _ =	vpop (xrf1);
	v7 =	vsel vm1, v10, v7  }
0x62: {  	(xrf1) =	vsort.dscd.msk.f32 $0xffff, v6, v8;
	v6, v16, _ =	vpop (xrf1)  }
0x63: {  	s31 =	simm.s32 $0x300;
	vm1 =	vge.f32 v12, v14;
	v8 =	vpop (erf)  }
0x64: {  	(xrf1) =	vsort.dscd.msk.f32 $0xffff, v7, v9;
	v10 =	vsel vm1, v12, v14;
	v11 =	vsel vm1, v13, v15;
	v12 =	vld [tilespmem:s31+$0x80];
	v7, v9, _ =	vpop (xrf1)  }
0x65: {  	(xrf1) =	vsort.dscd.msk.f32 $0xffff, v10, v11;
	v10 =	vnsel vm0, $0x0, v8;
	v11 =	vld [tilespmem:s31+$0x90];
	vm1 =	vge.f32 v6, v7  }
0x66: {  	v13 =	vld [tilespmem:s31+$0xA0];
	(xrf2) =	vadd.scan.msk.f32 $0xffff, v10;
	v6 =	vsel vm1, v6, v7;
	v7 =	vsel vm1, v16, v9;
	v9 =	vpop (erf)  }
0x67: {  	v10 =	vnsel vm0, $0x0, v9;
	(xrf1) =	vsort.dscd.msk.f32 $0xffff, v6, v7;
	v6 =	vld [tilespmem:s31+$0xB0]  }
0x68: {  	v7 =	vld [tilespmem:s31+$0xC0];
	(xrf2) =	vadd.scan.msk.f32 $0xffff, v10  }
0x69: {  	v9 =	vld [tilespmem:s31+$0xD0];
	(xrf1) =	vsort.dscd.msk.f32 $0xffff, v12, v0  }
0x6a: {  	v12 =	vld [tilespmem:s31+$0xE0];
	(xrf1) =	vsort.ascd.msk.f32 $0xffff, v11, v1  }
0x6b: {  	v11 =	vld [tilespmem:s31+$0xF0];
	(xrf1) =	vsort.dscd.msk.f32 $0xffff, v13, v2  }
0x6c: {  	v13 =	vld [tilespmem:s31+$0xFFFFFF40];
	(xrf1) =	vsort.ascd.msk.f32 $0xffff, v6, v3  }
0x6d: {  	v6 =	vld [tilespmem:s31+$0xFFFFFF50];
	(xrf1) =	vsort.dscd.msk.f32 $0xffff, v7, v0  }
0x6e: {  	v7 =	vld [tilespmem:s31+$0xFFFFFF60];
	(xrf1) =	vsort.ascd.msk.f32 $0xffff, v9, v1  }
0x6f: {  	v9 =	vld [tilespmem:s31+$0xFFFFFF70];
	(xrf1) =	vsort.dscd.msk.f32 $0xffff, v12, v2  }
0x70: {  	v14 =	vld [tilespmem:s31+$0xFFFFFFC0];
	(xrf1) =	vsort.ascd.msk.f32 $0xffff, v11, v3  }
0x71: {  	v16 =	vld [tilespmem:s31+$0xFFFFFFD0];
	v12, v20, _ =	vpop (xrf1);
	(xrf1) =	vsort.dscd.msk.f32 $0xffff, v13, v0  }
0x72: {  	v24 =	vld [tilespmem:s31+$0xFFFFFFE0];
	v15, v11, _ =	vpop (xrf1);
	(xrf1) =	vsort.ascd.msk.f32 $0xffff, v6, v1  }
0x73: {  	v26 =	vld [tilespmem:s31+$0xFFFFFFF0];
	v13, v19, _ =	vpop (xrf1);
	(xrf1) =	vsort.dscd.msk.f32 $0xffff, v7, v2  }
0x74: {  	v27, v22, _ =	vpop (xrf1);
	(xrf1) =	vsort.ascd.msk.f32 $0xffff, v9, v3  }
0x75: {  	v28 =	vld [tilespmem:s31+$0x40];
	v6, v21, _ =	vpop (xrf1);
	(xrf1) =	vsort.dscd.msk.f32 $0xffff, v14, v0  }
0x76: {  	v7, v23, _ =	vpop (xrf1);
	(xrf1) =	vsort.ascd.msk.f32 $0xffff, v16, v1  }
0x77: {  	v9 =	vld [tilespmem:s31+$0x50];
	(xrf1) =	vsort.dscd.msk.f32 $0xffff, v24, v2;
	v16, v24, _ =	vpop (xrf1)  }
0x78: {  	v29 =	vld [tilespmem:s31+$0x60];
	(xrf1) =	vsort.ascd.msk.f32 $0xffff, v26, v3;
	v26, v30, _ =	vpop (xrf1)  }
0x79: {  	v31, v57, _ =	vpop (xrf1)  }
0x7a: {  	(xrf1) =	vsort.dscd.msk.f32 $0xffff, v28, v0;
	vm1 =	vge.f32 v16, v26;
	v33, v34, _ =	vpop (xrf1)  }
0x7b: {  	v16 =	vsel vm1, v16, v26;
	v24 =	vsel vm1, v24, v30;
	vm1 =	vge.f32 v31, v33  }
0x7c: {  	v25, _, _ =	vpop (xrf2);
	v28 =	vperm.xlane v12, v4;
	(xrf1) =	vsort.ascd.msk.f32 $0xffff, v9, v1;
	v31 =	vsel vm1, v31, v33  }
0x7d: {  	(xrf1) =	vsort.dscd.msk.f32 $0xffff, v29, v2;
	v29, v35, _ =	vpop (xrf1)  }
0x7e: {  	v9 =	vperm.xlane v15, v4;
	v26, v30, _ =	vpop (xrf1)  }
0x7f: {  	v12 =	vsub.f32 v12, v28;
	v32 =	vsel vm1, v57, v34;
	(xrf1) =	vsort.dscd.msk.f32 $0xffff, v16, v24;
	v24, v58, _ =	vpop (xrf1)  }
0x80: {  	v16 =	vld [tilespmem:s31+$0x70];
	v9 =	vsub.f32 v15, v9;
	(xrf1) =	vsort.ascd.msk.f32 $0xffff, v31, v32;
	vm1 =	vge.f32 v29, v26;
	v28, v31, _ =	vpop (xrf1)  }
0x81: {  	v14, _, _ =	vpop (xrf2);
	v15 =	vld [tilespmem:s31+$0xFFFFFF10];
	v26 =	vsel vm1, v29, v26;
	v29 =	vsel vm1, v35, v30;
	vm1 =	vge.f32 v24, v28  }
0x82: {  	v59 =	vld [tilespmem:s31+$0xFFFFFF20];
	v30, v60, _ =	vpop (xrf1);
	v24 =	vsel vm1, v24, v28;
	v28 =	vsel vm1, v58, v31  }
0x83: {  	v61 =	vld [tilespmem:s31+$0xFFFFFF30];
	(xrf1) =	vsort.dscd.msk.f32 $0xffff, v26, v29;
	v26 =	vperm.xlane v13, v4;
	v31, v33, _ =	vpop (xrf1)  }
0x84: {  	v12 =	vmul.f32 $1.442695020e+00, v12;
	v29 =	vld [tilespmem:s31+$0xFFFFFF80];
	v36, v37, _ =	vpop (xrf1);
	(xrf1) =	vsort.ascd.msk.f32 $0xffff, v24, v28  }
0x85: {  	v9 =	vmul.f32 $1.442695020e+00, v9;
	v24 =	vld [tilespmem:s31+$0xFFFFFF90];
	(xrf1) =	vsort.ascd.msk.f32 $0xffff, v16, v3;
	v28, v38, _ =	vpop (xrf1)  }
0x86: {  	(erf) = vpow2.f32 v12;
	v12 =	vld [tilespmem:s31+$0xFFFFFF00];
	v13 =	vsub.f32 v13, v26;
	(xrf1) =	vsort.ascd.msk.f32 $0xffff, v15, v1;
	v15, v16, _ =	vpop (xrf1)  }
0x87: {  	(erf) = vpow2.f32 v9;
	v9 =	vld [tilespmem:s31+$0xFFFFFFA0];
	(xrf1) =	vsort.dscd.msk.f32 $0xffff, v59, v2;
	v26, v62, _ =	vpop (xrf1)  }
0x88: {  	v39 =	vld [tilespmem:s31+$0xFFFFFFB0];
	v13 =	vmul.f32 $1.442695020e+00, v13;
	(xrf1) =	vsort.ascd.msk.f32 $0xffff, v61, v3;
	v63, v40, _ =	vpop (xrf1)  }
0x89: {  	v41 =	vld [tilespmem:s31+$0x0];
	v14 =	vbroadcast v14, $0xF;
	(xrf1) =	vsort.dscd.msk.f32 $0xffff, v29, v0;
	v29, v42, _ =	vpop (xrf1)  }
0x8a: {  	(erf) = vpow2.f32 v13;
	v13 =	vbroadcast v25, $0xF;
	v25 =	vld [tilespmem:s31+$0x10];
	(xrf1) =	vsort.ascd.msk.f32 $0xffff, v24, v1;
	v24, v43, _ =	vpop (xrf1)  }
0x8b: {  	(erf) = vrcp.f32 v14;
	v14 =	vld [tilespmem:s31+$0x20];
	(xrf1) =	vsort.dscd.msk.f32 $0xffff, v12, v0;
	v12, v44, _ =	vpop (xrf1)  }
0x8c: {  	(erf) = vrcp.f32 v13;
	v13 =	vld [tilespmem:s31+$0x30];
	(xrf1) =	vsort.dscd.msk.f32 $0xffff, v9, v2;
	v9, v45, _ =	vpop (xrf1)  }
0x8d: {  	(xrf1) =	vsort.ascd.msk.f32 $0xffff, v39, v3;
	v48, v46, _ =	vpop (xrf1)  }
0x8e: {  	(xrf1) =	vsort.dscd.msk.f32 $0xffff, v41, v0;
	v49, v47, _ =	vpop (xrf1)  }
0x8f: {  	(xrf1) =	vsort.ascd.msk.f32 $0xffff, v25, v1;
	vm1 =	vge.f32 v48, v49  }
0x90: {  	(xrf1) =	vsort.dscd.msk.f32 $0xffff, v14, v2;
	v39 =	vsel vm1, v48, v49  }
0x91: {  	v46 =	vsel vm1, v46, v47;
	vm1 =	vge.f32 v30, v31;
	(xrf1) =	vsort.ascd.msk.f32 $0xffff, v13, v3  }
0x92: {  	v30 =	vsel vm1, v30, v31;
	v31 =	vsel vm1, v60, v33;
	(xrf1) =	vsort.dscd.msk.f32 $0xffff, v39, v46  }
0x93: {  	v13, v51, _ =	vpop (xrf1);
	vm1 =	vge.f32 v36, v28;
	(xrf1) =	vsort.dscd.msk.f32 $0xffff, v30, v31  }
0x94: {  	v33, v34, _ =	vpop (xrf1);
	v28 =	vsel vm1, v36, v28;
	v30 =	vsel vm1, v37, v38;
	vm1 =	vge.f32 v15, v26  }
0x95: {  	v15 =	vsel vm1, v15, v26;
	v16 =	vsel vm1, v16, v62;
	vm1 =	vge.f32 v13, v33  }
0x96: {  	v13 =	vsel vm1, v13, v33  }
0x97: {  	vm2 =	vge.f32 v63, v29;
	v52 =	vsel vm1, v51, v34;
	vm1 =	vge.f32 v24, v12  }
0x98: {  	v29 =	vsel vm2, v63, v29;
	v53, v54, _ =	vpop (xrf1);
	(xrf1) =	vsort.dscd.msk.f32 $0xffff, v13, v52;
	v12 =	vsel vm1, v24, v12  }
0x99: {  	(xrf1) =	vsort.ascd.msk.f32 $0xffff, v28, v30;
	v30 =	vsel vm1, v43, v44;
	vm1 =	vge.f32 v9, v53;
	v13, v32, _ =	vpop (xrf1)  }
0x9a: {  	v55 =	vsel vm2, v40, v42;
	v34 =	vsel vm1, v45, v54;
	v24, v28, _ =	vpop (xrf1)  }
0x9b: {  	v14 =	vperm.xlane v27, v4;
	(xrf1) =	vsort.dscd.msk.f32 $0xffff, v15, v16;
	v9 =	vsel vm1, v9, v53;
	v15, v16, _ =	vpop (xrf1)  }
0x9c: {  	(xrf1) =	vsort.ascd.msk.f32 $0xffff, v29, v55;
	v29, v35, _ =	vpop (xrf1)  }
0x9d: {  	v56 =	vperm.xlane v6, v4;
	v14 =	vsub.f32 v27, v14;
	(xrf1) =	vsort.dscd.msk.f32 $0xffff, v12, v30;
	v12, v30, _ =	vpop (xrf1)  }
0x9e: {  	(xrf1) =	vsort.ascd.msk.f32 $0xffff, v9, v34;
	v9, v34, _ =	vpop (xrf1)  }
0x9f: {  	v6 =	vsub.f32 v6, v56;
	v25 =	vpop (erf);
	v14 =	vmul.f32 $1.442695020e+00, v14;
	vm2 =	vge.f32 v9, v13  }
0xa0: {  	v50 =	vpop (erf);
	vm1 =	vge.f32 v24, v15;
	v9 =	vsel vm2, v9, v13;
	v13 =	vsel vm2, v34, v32  }
0xa1: {  	v57 =	vperm.xlane v7, v4;
	v16 =	vsel vm1, v28, v16;
	v58, v59, _ =	vpop (xrf1);
	vm2 =	vge.f32 v29, v12  }
0xa2: {  	(erf) = vpow2.f32 v14;
	v14 =	vsel vm1, v24, v15;
	v15, v24, _ =	vpop (xrf1);
	v28 =	vsel vm2, v35, v30  }
0xa3: {  	v7 =	vsub.f32 v7, v57;
	v32, v34, _ =	vpop (xrf1);
	v12 =	vsel vm2, v29, v12  }
0xa4: {  	v6 =	vmul.f32 $1.442695020e+00, v6;
	(xrf1) =	vsort.dscd.msk.f32 $0xffff, v9, v13;
	vm1 =	vge.f32 v58, v15;
	v9, v13, _ =	vpop (xrf1)  }
0xa5: {  	v7 =	vmul.f32 $1.442695020e+00, v7;
	v24 =	vsel vm1, v59, v24;
	(xrf1) =	vsort.ascd.msk.f32 $0xffff, v14, v16;
	v14, v16, _ =	vpop (xrf1)  }
0xa6: {  	(erf) = vpow2.f32 v6;
	vm2 =	vge.f32 v32, v9;
	(xrf1) =	vsort.dscd.msk.f32 $0xffff, v12, v28;
	v12, v28, _ =	vpop (xrf1)  }
0xa7: {  	v6 =	vsel vm1, v58, v15;
	v9 =	vsel vm2, v32, v9;
	v13 =	vsel vm2, v34, v13;
	v29, v15, _ =	vpop (xrf1)  }
0xa8: {  	v27 =	vpop (erf);
	(xrf1) =	vsort.ascd.msk.f32 $0xffff, v6, v24;
	vm1 =	vge.f32 v14, v12;
	v6 =	vperm.xlane v29, v4  }
0xa9: {  	(erf) = vpow2.f32 v7;
	v7, v24, _ =	vpop (xrf1);
	(xrf1) =	vsort.dscd.msk.f32 $0xffff, v9, v13;
	v9 =	vsel vm1, v14, v12;
	v12 =	vsel vm1, v16, v28  }
0xaa: {  	v31 =	vpop (erf);
	v13 =	vnsel vm0, $0x0, v25  }
0xab: {  	v26 =	vpop (erf);
	(xrf2) =	vadd.scan.msk.f32 $0xffff, v13;
	v6 =	vsub.f32 v29, v6  }
0xac: {  	v28, v16, _ =	vpop (xrf1)  }
0xad: {  	(xrf1) =	vsort.ascd.msk.f32 $0xffff, v9, v12;
	v9, v12, _ =	vpop (xrf1);
	v6 =	vmul.f32 $1.442695020e+00, v6  }
0xae: {  	vm1 =	vge.f32 v7, v9;
	v29, v30, _ =	vpop (xrf1)  }
0xaf: {  	v25 =	vperm.xlane v28, v4;
	v7 =	vsel vm1, v7, v9;
	v9 =	vsel vm1, v24, v12;
	v12, v24, _ =	vpop (xrf1)  }
0xb0: {  	v14 =	vnsel vm0, $0x0, v50;
	(erf) = vpow2.f32 v6;
	(xrf1) =	vsort.dscd.msk.f32 $0xffff, v7, v9;
	v61, v60, _ =	vpop (xrf1)  }
0xb1: {  	(xrf2) =	vadd.scan.msk.f32 $0xffff, v14;
	v25 =	vsub.f32 v28, v25;
	vm1 =	vge.f32 v29, v12;
	v6, v28, _ =	vpop (xrf1)  }
0xb2: {  	v12 =	vsel vm1, v29, v12;
	v24 =	vsel vm1, v30, v24;
	v9 =	vpop (erf);
	vm1 =	vge.f32 v61, v6  }
0xb3: {  	v25 =	vmul.f32 $1.442695020e+00, v25;
	(xrf1) =	vsort.dscd.msk.f32 $0xffff, v12, v24;
	v7 =	vpop (erf);
	v24 =	vsel vm1, v60, v28  }
0xb4: {  	v12 =	vsel vm1, v61, v6;
	v6 =	vpop (erf)  }
0xb5: {  	v20 =	vperm.xlane v20, v5;
	v26 =	vmul.f32 v26, v8;
	(xrf1) =	vsort.dscd.msk.f32 $0xffff, v12, v24;
	v12 =	vnsel vm0, $0x0, v27;
	v8, _, _ =	vpop (xrf2)  }
0xb6: {  	v10 =	vmul.f32 v31, v10;
	(erf) = vpow2.f32 v25;
	(xrf2) =	vadd.scan.msk.f32 $0xffff, v12;
	v24, v27, _ =	vpop (xrf1)  }
0xb7: {  	v19 =	vperm.xlane v19, v5;
	v25, v28, _ =	vpop (xrf1)  }
0xb8: {  	v29 =	vperm.xlane v11, v5;
	v11 =	vsel vm0, v22, v20;
	v20 =	vperm.xlane v10, v5;
	v30, v31, _ =	vpop (xrf1)  }
0xb9: {  	v18 =	vperm.xlane v18, v5;
	v22 =	vbroadcast v8, $0xF;
	v8 =	vsel vm0, v23, v19;
	v23 =	vpop (erf)  }
0xba: {  	s11 =	simm.s32 $0x10020;
	v10 =	vsel vm0, v21, v29;
	v20 =	vsel vm0, v26, v20;
	vm1 =	vge.f32 v24, v25;
	v62, v63, _ =	vpop (xrf1)  }
0xbb: {  	[tilespmem:s11+$0x10] =	vst v20;
	v20 =	vsel vm1, v24, v25;
	v24 =	vsel vm1, v27, v28;
	v25, _, _ =	vpop (xrf2);
	vm1 =	vge.f32 v30, v62  }
0xbc: {  	v19, v21, _ =	vpop (xrf1);
	(xrf1) =	vsort.dscd.msk.f32 $0xffff, v20, v24;
	v27 =	vsel vm1, v30, v62;
	v28 =	vsel vm1, v31, v63  }
0xbd: {  	v17 =	vsel vm0, v17, v18;
	v18, v26, _ =	vpop (xrf1);
	(xrf1) =	vsort.dscd.msk.f32 $0xffff, v27, v28  }
0xbe: {  	v20 =	vnsel vm0, $0x0, v23;
	v24, v30, _ =	vpop (xrf1)  }
0xbf: {  	s12 =	simm.s32 $0x12020;
	(erf) = vrcp.f32 v22;
	(xrf2) =	vadd.scan.msk.f32 $0xffff, v20;
	vm1 =	vge.f32 v19, v18;
	v27 =	vpop (erf);
	v28 =	vperm.xlane v24, v4  }
0xc0: {  	[tilespmem:s12+$0x10] =	vst v17;
	v17 =	vsel vm1, v19, v18;
	v19 =	vsel vm1, v21, v26;
	v18 =	vperm.xlane v30, v5;
	v21, _, _ =	vpop (xrf2)  }
0xc1: {  	(xrf1) =	vsort.dscd.msk.f32 $0xffff, v17, v19;
	v30 =	vbroadcast v21, $0xF;
	v21 =	vsub.f32 v24, v28;
	v28 =	vnsel vm0, $0x0, v27  }
0xc2: {  	v25 =	vbroadcast v25, $0xF;
	(xrf2) =	vadd.scan.msk.f32 $0xffff, v28;
	_ =	sdelay $0x1  }
0xc3: {  	(erf) = vrcp.f32 v25;
	v26, v20, _ =	vpop (xrf1)  }
0xc4: {  	v29 =	vnsel vm0, $0x0, v9;
	v17 =	vperm.xlane v26, v4  }
0xc5: {  	v22 =	vnsel vm0, $0x0, v7;
	v20 =	vperm.xlane v20, v5;
	v24, v19, _ =	vpop (xrf1);
	(xrf2) =	vadd.scan.msk.f32 $0xffff, v29  }
0xc6: {  	s15 =	simm.s32 $0x4;
	v21 =	vmul.f32 $1.442695020e+00, v21;
	v27 =	vperm.xlane v24, v4;
	v26 =	vsub.f32 v26, v17  }
0xc7: {  	s16 =	simm.s32 $0x500;
	s14 =	simm.s32 $0x10020;
	s13 =	simm.s32 $0x12020;
	v25 =	vnsel vm0, $0x0, v6;
	v17 =	vperm.xlane v19, v5;
	v19 =	vpop (erf);
	(erf) = vrcp.f32 v30  }
.LBB2_2:
0xc8: {  	v29 =	vld [tilespmem:s16+$0x80];
	v26 =	vmul.f32 $1.442695020e+00, v26;
	v24 =	vsub.f32 v24, v27;
	(erf) = vpow2.f32 v21;
	v21, _, _ =	vpop (xrf2);
	(xrf2) =	vadd.scan.msk.f32 $0xffff, v22  }
0xc9: {  	v31 =	vmul.f32 v19, v13;
	v22 =	vld [tilespmem:s16+$0x90];
	v27, v30, _ =	vpop (xrf1)  }
0xca: {  	v13 =	vld [tilespmem:s16+$0xA0];
	v32 =	vperm.xlane v27, v4;
	v19 =	vsel vm0, v30, v18;
	v35 =	vmul.f32 $1.442695020e+00, v24;
	v30, v18, _ =	vpop (xrf1)  }
0xcb: {  	v33 =	vld [tilespmem:s16+$0xB0];
	v34 =	vperm.xlane v30, v4;
	v18 =	vsel vm0, v18, v20;
	(erf) = vpow2.f32 v26;
	v20, _, _ =	vpop (xrf2)  }
0xcc: {  	v26 =	vld [tilespmem:s16+$0xC0];
	v27 =	vsub.f32 v27, v32;
	v20 =	vbroadcast v20, $0xF;
	(erf) = vpow2.f32 v35;
	v24 =	vpop (erf);
	(xrf2) =	vadd.scan.msk.f32 $0xffff, v25  }
0xcd: {  	v25 =	vld [tilespmem:s16+$0xD0];
	(xrf1) =	vsort.dscd.msk.f32 $0xffff, v29, v0;
	v29 =	vsub.f32 v30, v34;
	v14 =	vmul.f32 v24, v14  }
0xce: {  	v34 =	vbroadcast v21, $0xF;
	v24 =	vld [tilespmem:s16+$0xE0];
	(xrf1) =	vsort.ascd.msk.f32 $0xffff, v22, v1;
	v22, v30, _ =	vpop (xrf1);
	(erf) = vrcp.f32 v20  }
0xcf: {  	v35 =	vmul.f32 $1.442695020e+00, v27;
	v20 =	vld [tilespmem:s16+$0xF0];
	(xrf1) =	vsort.dscd.msk.f32 $0xffff, v13, v2;
	v27 =	vperm.xlane v22, v4;
	v17 =	vsel vm0, v30, v17;
	v30, _, _ =	vpop (xrf2)  }
0xd0: {  	s15 =	sadd.s32 $0x4, s15;
	v32 =	vld [tilespmem:s16+$0xFFFFFF40];
	(xrf1) =	vsort.ascd.msk.f32 $0xffff, v33, v3;
	v33 =	vmul.f32 $1.442695020e+00, v29;
	(erf) = vrcp.f32 v34;
	v21 =	vpop (erf)  }
0xd1: {  	p0 =	slt.u32 s15, $0x1FC;
	v30 =	vbroadcast v30, $0xF;
	v34 =	vld [tilespmem:s16+$0xFFFFFF50];
	(xrf1) =	vsort.dscd.msk.f32 $0xffff, v26, v0;
	v22 =	vsub.f32 v22, v27;
	(erf) = vpow2.f32 v35;
	v13 =	vpop (erf)  }
0xd2: {  	v27 =	vperm.xlane v31, v5;
	v36 =	vmul.f32 v21, v12;
	v26 =	vld [tilespmem:s16+$0xFFFFFF60];
	(xrf1) =	vsort.ascd.msk.f32 $0xffff, v25, v1;
	v13 =	vnsel vm0, $0x0, v13;
	v21, _, _ =	vpop (xrf2)  }
0xd3: {  	v25 =	vld [tilespmem:s16+$0xFFFFFF70];
	(xrf1) =	vsort.dscd.msk.f32 $0xffff, v24, v2;
	v22 =	vmul.f32 $1.442695020e+00, v22;
	v29 =	vbroadcast v21, $0xF  }
0xd4: {  	v24 =	vperm.xlane v14, v5;
	v21 =	vld [tilespmem:s16+$0xFFFFFFC0];
	(xrf1) =	vsort.ascd.msk.f32 $0xffff, v20, v3;
	v31 =	vpop (erf);
	v20 =	vperm.xlane v36, v5  }
0xd5: {  	v35 =	vld [tilespmem:s16+$0xFFFFFFD0];
	(xrf1) =	vsort.dscd.msk.f32 $0xffff, v32, v0;
	v14 =	vnsel vm0, $0x0, v31;
	v12 =	vpop (erf)  }
0xd6: {  	v31 =	vld [tilespmem:s16+$0xFFFFFFE0];
	(xrf1) =	vsort.ascd.msk.f32 $0xffff, v34, v1;
	v12 =	vnsel vm0, $0x0, v12;
	v32, _, _ =	vpop (xrf2)  }
0xd7: {  	v34 =	vld [tilespmem:s16+$0xFFFFFFF0];
	(xrf1) =	vsort.dscd.msk.f32 $0xffff, v26, v2;
	v36 =	vpop (erf);
	v26 =	vbroadcast v32, $0xF  }
0xd8: {  	v32 =	vld [tilespmem:s16+$0x40];
	(xrf1) =	vsort.ascd.msk.f32 $0xffff, v25, v3;
	v25 =	vmul.f32 v36, v28  }
0xd9: {  	v28 =	vld [tilespmem:s16+$0x50];
	(xrf1) =	vsort.dscd.msk.f32 $0xffff, v21, v0;
	v21 =	vpop (erf)  }
0xda: {  	v36 =	vld [tilespmem:s16+$0x60];
	(xrf1) =	vsort.ascd.msk.f32 $0xffff, v35, v1;
	v35 =	vmul.f32 v21, v23;
	v25 =	vperm.xlane v25, v5;
	v23 =	vpop (erf)  }
0xdb: {  	v16 =	vperm.xlane v16, v5;
	v37 =	vld [tilespmem:s16+$0x70];
	(xrf1) =	vsort.dscd.msk.f32 $0xffff, v31, v2;
	v31, v38, _ =	vpop (xrf1);
	v21 =	vnsel vm0, $0x0, v23  }
0xdc: {  	s11 =	sadd.s32 $0x40, s11;
	v39 =	vld [tilespmem:s16+$0xFFFFFF10];
	(xrf1) =	vsort.ascd.msk.f32 $0xffff, v34, v3;
	v34, v40, _ =	vpop (xrf1);
	v43 =	vsel vm0, v35, v25  }
0xdd: {  	s12 =	sadd.s32 $0x40, s12;
	v15 =	vsel vm0, v15, v16;
	v35 =	vld [tilespmem:s16+$0xFFFFFF20];
	(xrf1) =	vsort.dscd.msk.f32 $0xffff, v32, v0;
	v32, v41, _ =	vpop (xrf1);
	[tilespmem:s11+$0x10] =	vst v43  }
0xde: {  	v16 =	vld [tilespmem:s16+$0xFFFFFF30];
	(xrf1) =	vsort.ascd.msk.f32 $0xffff, v28, v1;
	v25, v28, _ =	vpop (xrf1);
	[tilespmem:s12+$0x10] =	vst v15  }
0xdf: {  	vm1 =	vge.f32 v31, v34;
	v15 =	vld [tilespmem:s16+$0xFFFFFF80];
	(xrf1) =	vsort.dscd.msk.f32 $0xffff, v36, v2;
	v36, v42, _ =	vpop (xrf1)  }
0xe0: {  	v45 =	vsel vm1, v31, v34;
	v34 =	vsel vm1, v38, v40;
	vm1 =	vge.f32 v32, v25;
	v43 =	vld [tilespmem:s16+$0xFFFFFF90];
	v38, v40, _ =	vpop (xrf1)  }
0xe1: {  	v46 =	vsel vm1, v32, v25;
	v41 =	vsel vm1, v41, v28;
	v44 =	vld [tilespmem:s16+$0xFFFFFFA0];
	(xrf1) =	vsort.dscd.msk.f32 $0xffff, v45, v34;
	v31, v32, _ =	vpop (xrf1)  }
0xe2: {  	vm1 =	vge.f32 v36, v38;
	(xrf1) =	vsort.ascd.msk.f32 $0xffff, v46, v41;
	v25, v28, _ =	vpop (xrf1)  }
0xe3: {  	v34 =	vld [tilespmem:s16+$0xFFFFFFB0];
	v36 =	vsel vm1, v36, v38;
	v47 =	vsel vm1, v42, v40;
	vm1 =	vge.f32 v31, v25  }
0xe4: {  	v41 =	vld [tilespmem:s16+$0x0];
	v40, v42, _ =	vpop (xrf1);
	v28 =	vsel vm1, v32, v28  }
0xe5: {  	v45 =	vld [tilespmem:s16+$0x10];
	v25 =	vsel vm1, v31, v25;
	v31, v32, _ =	vpop (xrf1);
	(xrf1) =	vsort.dscd.msk.f32 $0xffff, v36, v47  }
0xe6: {  	vm1 =	vge.f32 v40, v31;
	v36 =	vld [tilespmem:s16+$0x20];
	v38, v46, _ =	vpop (xrf1);
	(xrf1) =	vsort.ascd.msk.f32 $0xffff, v25, v28;
	(erf) = vpow2.f32 v33  }
0xe7: {  	v33 =	vsel vm1, v40, v31;
	v32 =	vsel vm1, v42, v32;
	v25 =	vld [tilespmem:s16+$0x30];
	v28, v31, _ =	vpop (xrf1);
	(xrf1) =	vsort.ascd.msk.f32 $0xffff, v37, v3  }
0xe8: {  	v37 =	vld [tilespmem:s16+$0xFFFFFF00];
	vm1 =	vge.f32 v38, v28;
	(xrf1) =	vsort.ascd.msk.f32 $0xffff, v39, v1;
	v39, v40, _ =	vpop (xrf1)  }
0xe9: {  	v38 =	vsel vm1, v38, v28;
	v42 =	vsel vm1, v46, v31;
	(xrf1) =	vsort.dscd.msk.f32 $0xffff, v35, v2;
	v28, v31, _ =	vpop (xrf1);
	(erf) = vpow2.f32 v22  }
0xea: {  	vm1 =	vge.f32 v39, v28;
	(xrf1) =	vsort.ascd.msk.f32 $0xffff, v16, v3;
	v16, v22, _ =	vpop (xrf1)  }
0xeb: {  	v35 =	vsel vm1, v39, v28;
	v39 =	vsel vm1, v40, v31;
	(xrf1) =	vsort.dscd.msk.f32 $0xffff, v15, v0;
	v15, v28, _ =	vpop (xrf1)  }
0xec: {  	vm1 =	vge.f32 v16, v15;
	(xrf1) =	vsort.ascd.msk.f32 $0xffff, v43, v1;
	v31, v40, _ =	vpop (xrf1)  }
0xed: {  	v15 =	vsel vm1, v16, v15;
	v16 =	vsel vm1, v22, v28;
	(xrf1) =	vsort.dscd.msk.f32 $0xffff, v37, v0;
	v22, v28, _ =	vpop (xrf1)  }
0xee: {  	vm1 =	vge.f32 v31, v22;
	(xrf1) =	vsort.dscd.msk.f32 $0xffff, v44, v2;
	v37, v43, _ =	vpop (xrf1)  }
0xef: {  	v44 =	vsel vm1, v31, v22;
	v40 =	vsel vm1, v40, v28;
	(xrf1) =	vsort.ascd.msk.f32 $0xffff, v34, v3;
	v28 =	vpop (erf)  }
0xf0: {  	(xrf1) =	vsort.dscd.msk.f32 $0xffff, v41, v0;
	v34, v41, _ =	vpop (xrf1);
	v22 =	vnsel vm0, $0x0, v28  }
0xf1: {  	(xrf1) =	vsort.ascd.msk.f32 $0xffff, v45, v1;
	v45, v46, _ =	vpop (xrf1)  }
0xf2: {  	vm1 =	vge.f32 v34, v45;
	(xrf1) =	vsort.dscd.msk.f32 $0xffff, v36, v2;
	v31 =	vpop (erf)  }
0xf3: {  	v47 =	vsel vm1, v34, v45;
	v46 =	vsel vm1, v41, v46;
	(xrf1) =	vsort.ascd.msk.f32 $0xffff, v25, v3;
	v41, v45, _ =	vpop (xrf1);
	v25 =	vnsel vm0, $0x0, v31  }
0xf4: {  	(xrf1) =	vsort.dscd.msk.f32 $0xffff, v47, v46;
	v34, v36, _ =	vpop (xrf1)  }
0xf5: {  	vm1 =	vge.f32 v41, v34;
	(xrf1) =	vsort.dscd.msk.f32 $0xffff, v33, v32;
	v32, v33, _ =	vpop (xrf1)  }
0xf6: {  	vm2 =	vge.f32 v37, v32;
	v47 =	vsel vm1, v41, v34;
	v46 =	vsel vm1, v45, v36;
	v41, v45, _ =	vpop (xrf1)  }
0xf7: {  	v32 =	vsel vm2, v37, v32;
	v33 =	vsel vm2, v43, v33;
	v37, v43, _ =	vpop (xrf1);
	(xrf1) =	vsort.dscd.msk.f32 $0xffff, v47, v46  }
0xf8: {  	v34, v36, _ =	vpop (xrf1);
	(xrf1) =	vsort.ascd.msk.f32 $0xffff, v38, v42  }
0xf9: {  	vm1 =	vge.f32 v37, v34;
	v38, v42, _ =	vpop (xrf1);
	(xrf1) =	vsort.dscd.msk.f32 $0xffff, v35, v39  }
0xfa: {  	v34 =	vsel vm1, v37, v34;
	v35 =	vsel vm1, v43, v36;
	v36, v37, _ =	vpop (xrf1);
	(xrf1) =	vsort.ascd.msk.f32 $0xffff, v15, v16  }
0xfb: {  	vm1 =	vge.f32 v38, v36;
	v15, v16, _ =	vpop (xrf1);
	(xrf1) =	vsort.dscd.msk.f32 $0xffff, v44, v40;
	(erf) = vrcp.f32 v30  }
0xfc: {  	vm2 =	vge.f32 v15, v41;
	v30 =	vsel vm1, v38, v36;
	v36, v38, _ =	vpop (xrf1);
	(xrf1) =	vsort.ascd.msk.f32 $0xffff, v32, v33  }
0xfd: {  	v40 =	vsel vm1, v42, v37;
	v41 =	vsel vm2, v15, v41;
	v39 =	vsel vm2, v16, v45;
	v33, v37, _ =	vpop (xrf1)  }
0xfe: {  	vm1 =	vge.f32 v36, v33;
	(xrf1) =	vsort.dscd.msk.f32 $0xffff, v41, v39;
	v15, v16, _ =	vpop (xrf1)  }
0xff: {  	(xrf1) =	vsort.ascd.msk.f32 $0xffff, v34, v35;
	v34, v35, _ =	vpop (xrf1)  }
0x100: {  	v33 =	vsel vm1, v36, v33;
	v36 =	vsel vm1, v38, v37;
	vm1 =	vge.f32 v15, v34  }
0x101: {  	v15 =	vsel vm1, v15, v34  }
0x102: {  	v16 =	vsel vm1, v16, v35  }
0x103: {  	(xrf1) =	vsort.dscd.msk.f32 $0xffff, v30, v40;
	v30, v32, _ =	vpop (xrf1)  }
0x104: {  	(xrf1) =	vsort.ascd.msk.f32 $0xffff, v33, v36;
	v33, v34, _ =	vpop (xrf1)  }
0x105: {  	vm1 =	vge.f32 v30, v33;
	(xrf1) =	vsort.dscd.msk.f32 $0xffff, v15, v16;
	(erf) = vrcp.f32 v29;
	v16, v15, _ =	vpop (xrf1)  }
0x106: {  	v37 =	vsel vm1, v30, v33;
	v30 =	vsel vm1, v32, v34;
	v32 =	vperm.xlane v16, v4;
	v33, v34, _ =	vpop (xrf1)  }
0x107: {  	v35 =	vpop (erf)  }
0x108: {  	v32 =	vsub.f32 v16, v32;
	(xrf1) =	vsort.ascd.msk.f32 $0xffff, v37, v30;
	v29, v16, _ =	vpop (xrf1);
	v30 =	vmul.f32 v35, v9;
	v9 =	vmov v23  }
0x109: {  	v35, v36, _ =	vpop (xrf1)  }
0x10a: {  	v23 =	vperm.xlane v29, v4;
	vm1 =	vge.f32 v33, v35;
	v32 =	vmul.f32 $1.442695020e+00, v32  }
0x10b: {  	v27 =	vsel vm0, v30, v27;
	v35 =	vsel vm1, v33, v35;
	v33 =	vsel vm1, v34, v36  }
0x10c: {  	v37, v38, _ =	vpop (xrf1);
	(xrf2) =	vadd.scan.msk.f32 $0xffff, v13  }
0x10d: {  	v23 =	vsub.f32 v29, v23;
	v29, v34, _ =	vpop (xrf1);
	[tilespmem:s14+$0xFFFFFFE0] =	vst v27  }
0x10e: {  	vm1 =	vge.f32 v37, v29;
	(xrf1) =	vsort.dscd.msk.f32 $0xffff, v35, v33;
	(erf) = vpow2.f32 v32;
	[tilespmem:s13+$0xFFFFFFE0] =	vst v11;
	v27, v30, _ =	vpop (xrf1)  }
0x10f: {  	v35 =	vsel vm1, v37, v29;
	v34 =	vsel vm1, v38, v34;
	v36 =	vmul.f32 $1.442695020e+00, v23;
	(xrf2) =	vadd.scan.msk.f32 $0xffff, v14;
	v32, v33, _ =	vpop (xrf1)  }
0x110: {  	v11 =	vmov v19;
	vm1 =	vge.f32 v27, v32;
	(xrf1) =	vsort.dscd.msk.f32 $0xffff, v35, v34;
	v29 =	vpop (erf)  }
0x111: {  	v19 =	vsel vm1, v27, v32;
	v34 =	vsel vm1, v30, v33;
	v30, v32, _ =	vpop (xrf1);
	(erf) = vpow2.f32 v36  }
0x112: {  	v23, v33, _ =	vpop (xrf1);
	(xrf1) =	vsort.dscd.msk.f32 $0xffff, v19, v34;
	v19 =	vmul.f32 v29, v7;
	(erf) = vrcp.f32 v26;
	v7 =	vmov v28  }
0x113: {  	vm1 =	vge.f32 v30, v23;
	v26, v27, _ =	vpop (xrf1);
	(xrf2) =	vadd.scan.msk.f32 $0xffff, v12  }
0x114: {  	v23 =	vsel vm1, v30, v23;
	v29, v30, _ =	vpop (xrf1)  }
0x115: {  	v28 =	vsel vm1, v32, v33;
	v19 =	vsel vm0, v19, v24;
	vm1 =	vge.f32 v26, v29  }
0x116: {  	v24, v32, _ =	vpop (xrf1);
	[tilespmem:s14+$0xFFFFFFF0] =	vst v19;
	v19 =	vsel vm1, v26, v29;
	v26 =	vsel vm1, v27, v30  }
0x117: {  	(xrf1) =	vsort.dscd.msk.f32 $0xffff, v23, v28;
	v27, _, _ =	vpop (xrf2);
	[tilespmem:s13+$0xFFFFFFF0] =	vst v10  }
0x118: {  	v10 =	vmov v18;
	(xrf1) =	vsort.dscd.msk.f32 $0xffff, v19, v26;
	v23 =	vpop (erf);
	v19 =	vbroadcast v27, $0xF  }
0x119: {  	v28 =	vnsel vm0, $0x0, v23;
	v26, v27, _ =	vpop (xrf1)  }
0x11a: {  	vm1 =	vge.f32 v24, v26;
	(xrf2) =	vadd.scan.msk.f32 $0xffff, v28;
	(erf) = vrcp.f32 v19;
	v18, _, _ =	vpop (xrf2)  }
0x11b: {  	v30 =	vsel vm1, v24, v26;
	v29 =	vsel vm1, v32, v27;
	v26 =	vpop (erf);
	v27 =	vbroadcast v18, $0xF  }
0x11c: {  	v28 =	vnsel vm0, $0x0, v26;
	(xrf1) =	vsort.dscd.msk.f32 $0xffff, v30, v29;
	v18 =	vpop (erf)  }
0x11d: {  	v19, v24, _ =	vpop (xrf1);
	(xrf2) =	vadd.scan.msk.f32 $0xffff, v28;
	v26 =	vmul.f32 v18, v6;
	v6 =	vmov v31  }
0x11e: {  	v34 =	vperm.xlane v19, v4;
	v18 =	vperm.xlane v24, v5;
	v24, _, _ =	vpop (xrf2)  }
.Ltmp0:
0x11f: {  	v30, v31, _ =	vpop (xrf1);
	v32 =	vbroadcast v24, $0xF;
	(erf) = vrcp.f32 v27;
	v27 =	vsel vm0, v26, v20;
	(pc) =	sbr.rel @p0 .LBB2_2-.Ltmp0, $4  }
0x120: {  	v33 =	vsub.f32 v19, v34;
	v26 =	vperm.xlane v30, v4;
	v20 =	vperm.xlane v31, v5;
	[tilespmem:s14+$0x0] =	vst v27;
	s14 =	smov.u32 s11  }
0x121: {  	v24, v29, _ =	vpop (xrf1);
	(xrf2) =	vadd.scan.msk.f32 $0xffff, v21;
	[tilespmem:s13+$0x0] =	vst v8;
	v8 =	vmov v17;
	s13 =	smov.u32 s12  }
0x122: {  	v21 =	vmul.f32 $1.442695020e+00, v33;
	v26 =	vsub.f32 v30, v26;
	v27 =	vperm.xlane v24, v4  }
0x123: {  	s16 =	sadd.s32 $0x200, s16;
	v17 =	vperm.xlane v29, v5;
	v19 =	vpop (erf);
	(erf) = vrcp.f32 v32  }
0x124: {  	_ = 	snop  }
0x125: {  	v41, v29, _ =	vpop (xrf1)  }
0x126: {  	v24 =	vsub.f32 v24, v27;
	v30 =	vperm.xlane v41, v4  }
0x127: {  	v40, _, _ =	vpop (xrf2);
	v26 =	vmul.f32 $1.442695020e+00, v26  }
0x128: {  	(erf) = vpow2.f32 v21;
	v24 =	vmul.f32 $1.442695020e+00, v24;
	v31, _, _ =	vpop (xrf2)  }
0x129: {  	v32, v33, _ =	vpop (xrf1);
	(erf) = vpow2.f32 v26;
	v42 =	vbroadcast v31, $0xF  }
0x12a: {  	v43 =	vperm.xlane v32, v4;
	v21 =	vsub.f32 v41, v30;
	(erf) = vpow2.f32 v24  }
0x12b: {  	v44 =	vbroadcast v40, $0xF;
	(erf) = vrcp.f32 v42;
	v45, v30, _ =	vpop (xrf1)  }
0x12c: {  	v46 =	vsub.f32 v32, v43;
	v21 =	vmul.f32 $1.442695020e+00, v21;
	v47 =	vperm.xlane v45, v4  }
0x12d: {  	(erf) = vrcp.f32 v44  }
0x12e: {  	v48 =	vmul.f32 $1.442695020e+00, v46;
	(erf) = vpow2.f32 v21;
	v49 =	vsub.f32 v45, v47;
	_ =	sdelay $0x1  }
0x12f: {  	v50 =	vpop (erf);
	(erf) = vpow2.f32 v48;
	v26 =	vmul.f32 $1.442695020e+00, v49  }
0x130: {  	v24 =	vpop (erf)  }
0x131: {  	v51 =	vpop (erf);
	(erf) = vpow2.f32 v26  }
0x132: {  	v52 =	vpop (erf)  }
0x133: {  	(xrf2) =	vadd.scan.msk.f32 $0xffff, v22;
	v53 =	vpop (erf)  }
0x134: {  	(xrf2) =	vadd.scan.msk.f32 $0xffff, v25;
	v54 =	vnsel vm0, $0x0, v51;
	v55 =	vpop (erf)  }
0x135: {  	(xrf2) =	vadd.scan.msk.f32 $0xffff, v54;
	v26 =	vnsel vm0, $0x0, v52;
	v56 =	vpop (erf)  }
0x136: {  	v22 =	vnsel vm0, $0x0, v53;
	(xrf2) =	vadd.scan.msk.f32 $0xffff, v26;
	v32 =	vpop (erf)  }
0x137: {  	(xrf2) =	vadd.scan.msk.f32 $0xffff, v22;
	v34 =	vnsel vm0, $0x0, v32  }
0x138: {  	v35 =	vpop (erf);
	(xrf2) =	vadd.scan.msk.f32 $0xffff, v34  }
0x139: {  	v57 =	vnsel vm0, $0x0, v35  }
0x13a: {  	(xrf2) =	vadd.scan.msk.f32 $0xffff, v57;
	v36 =	vpop (erf)  }
0x13b: {  	v58 =	vnsel vm0, $0x0, v36  }
0x13c: {  	v37, _, _ =	vpop (xrf2);
	(xrf2) =	vadd.scan.msk.f32 $0xffff, v58  }
0x13d: {  	v13 =	vmul.f32 v19, v13;
	v60 =	vbroadcast v37, $0xF;
	v59, _, _ =	vpop (xrf2)  }
0x13e: {  	v16 =	vperm.xlane v16, v5;
	v62 =	vbroadcast v59, $0xF;
	v61, _, _ =	vpop (xrf2)  }
0x13f: {  	v37 =	vbroadcast v61, $0xF;
	(erf) = vrcp.f32 v60;
	v63, _, _ =	vpop (xrf2)  }
0x140: {  	(erf) = vrcp.f32 v62;
	v39 =	vbroadcast v63, $0xF;
	v38, _, _ =	vpop (xrf2)  }
0x141: {  	(erf) = vrcp.f32 v37;
	v40, _, _ =	vpop (xrf2);
	v19 =	vbroadcast v38, $0xF  }
0x142: {  	(erf) = vrcp.f32 v39;
	v41 =	vbroadcast v40, $0xF;
	v42, _, _ =	vpop (xrf2)  }
0x143: {  	(erf) = vrcp.f32 v19;
	v43 =	vbroadcast v42, $0xF  }
0x144: {  	v27 =	vmul.f32 v55, v28;
	(erf) = vrcp.f32 v41;
	v44, _, _ =	vpop (xrf2)  }
0x145: {  	v45 =	vbroadcast v44, $0xF;
	(erf) = vrcp.f32 v43  }
0x146: {  	v46 =	vmul.f32 v56, v23;
	v47 =	vperm.xlane v27, v5;
	v48, _, _ =	vpop (xrf2)  }
0x147: {  	(erf) = vrcp.f32 v45;
	v27 =	vbroadcast v48, $0xF  }
0x148: {  	v13 =	vperm.xlane v13, v5;
	v14 =	vmul.f32 v50, v14;
	v49 =	vpop (erf)  }
0x149: {  	s11 =	sadd.s32 $0x40, s11;
	v21 =	vsel vm0, v46, v47;
	v9 =	vmul.f32 v49, v9;
	v50 =	vpop (erf);
	(erf) = vrcp.f32 v27  }
0x14a: {  	s12 =	sadd.s32 $0x40, s12;
	v15 =	vsel vm0, v15, v16;
	v14 =	vperm.xlane v14, v5;
	[tilespmem:s11+$0x10] =	vst v21;
	v51 =	vpop (erf)  }
0x14b: {  	v12 =	vmul.f32 v24, v12;
	[tilespmem:s12+$0x10] =	vst v15;
	v7 =	vmul.f32 v50, v7;
	v9 =	vsel vm0, v9, v13;
	v52 =	vpop (erf)  }
0x14c: {  	[tilespmem:s14+$0xFFFFFFE0] =	vst v9;
	v54 =	vmul.f32 v52, v54;
	v53 =	vpop (erf)  }
0x14d: {  	v12 =	vperm.xlane v12, v5;
	v7 =	vsel vm0, v7, v14;
	[tilespmem:s13+$0xFFFFFFE0] =	vst v11;
	v6 =	vmul.f32 v51, v6;
	v55 =	vpop (erf)  }
0x14e: {  	[tilespmem:s14+$0xFFFFFFF0] =	vst v7;
	v57 =	vperm.xlane v54, v5;
	v56 =	vpop (erf)  }
0x14f: {  	[tilespmem:s13+$0xFFFFFFF0] =	vst v10;
	v6 =	vsel vm0, v6, v12;
	v7 =	vmul.f32 v53, v26;
	v9 =	vmul.f32 v56, v32  }
0x150: {  	[tilespmem:s14+$0x0] =	vst v6;
	v6 =	vmul.f32 v55, v22;
	v58 =	vpop (erf)  }
0x151: {  	[tilespmem:s13+$0x0] =	vst v8;
	v7 =	vperm.xlane v7, v5;
	v60 =	vmul.f32 v58, v35;
	v59 =	vsel vm0, v9, v57  }
0x152: {  	v61 =	vsel vm0, v29, v18;
	[tilespmem:s11+$0xFFFFFFE0] =	vst v59;
	v62 =	vpop (erf)  }
0x153: {  	v6 =	vperm.xlane v6, v5;
	v7 =	vsel vm0, v60, v7;
	[tilespmem:s12+$0xFFFFFFE0] =	vst v61;
	v8 =	vmul.f32 v62, v36  }
0x154: {  	v63 =	vsel vm0, v33, v20;
	[tilespmem:s11+$0xFFFFFFF0] =	vst v7  }
0x155: {  	[tilespmem:s12+$0xFFFFFFF0] =	vst v63;
	v6 =	vsel vm0, v8, v6  }
0x156: {  	v7 =	vsel vm0, v30, v17;
	[tilespmem:s11+$0x0] =	vst v6  }
0x157: {  	[tilespmem:s12+$0x0] =	vst v7  }
0x158: {  	[hbm4b:s4+s2] =	stream.linear.scatter [tilespmem:s8], [sflag:$0x1], $0x2000, $0x38;
	[tilespmem:$0x14000] =	vst v63  }
0x159: {  	s10 =	sadd.s32 $0x1, s10;
	_ =	swait.ge [sflag:s7], $0x2000  }
0x15a: {  	p0 =	sne.s32 s10, s6;
	[sflag:s7] =	ssyncset.done $0x0  }
.Ltmp1:
0x15b: {  	[sflag:s7] =	ssyncadd.s32 $0xFFFFE000;
	(pc) =	sbr.rel @p0 .LBB2_1-.Ltmp1, $4  }
0x15c: {  	[hbm4b:s5+s2] =	stream.linear.scatter [tilespmem:s9], [sflag:$0x1], $0x2000, $0x38;
	[tilespmem:$0x14000] =	vst v63  }
0x15d: {  	_ =	swait.ge [sflag:s7], $0x2000  }
0x15e: {  	[sflag:s7] =	ssyncset.done $0x0  }
0x15f: {  	[sflag:s7] =	ssyncadd.s32 $0xFFFFE000  }
0x160: {  	_ =	sfence.sel $0x180000  }
0x161: {  	[bflag:$0x0] =	sbarrier.arrive $0xFFFF  }
0x162: {  	p0 =	sne.s32 s1, $0x0;
	_ =	strace $0x90000047  }
0x163: {  	s0 =	sadd.s32 @!p0 $0x100000, s0;
	[bflag:$0x2] =	sbarrier.arrive $0xFFFF  }
0x164: {  	[sflag:s0] =	ssyncadd.tile.s32 @!p0 $0x1;
	_ =	shalt  }
.Lfunc_end2:
_tile_overlayer_lowered:
.L_overlay_start_2:
0x165: {  	(tag) =	ssettag $0x2  }
0x166: {  	s0 =	rddreg [dreg:$0x0];
	s2 =	stileid.u32  }
0x167: {  	s1 =	rddreg [dreg:$0x1];
	p0 =	sne.s32 s2, $0x0  }
0x168: {  	s3 =	rddreg [dreg:$0x2];
	[bflag:$0x3] =	sbarrier.arrive $0xFFFF;
	s2 =	simm.s32 @!p0 $0x1C01  }
0x169: {  	[timem:s3], [sflag:s2] =	dma.local @!p0 [hbm:s0], s1  }
0x16a: {  	s0 =	simm.s32 @!p0 $0x1  }
0x16b: {  	_ =	swait.ge @!p0 [sflag:s0], s1  }
0x16c: {  	s1 =	ssub.s32 @!p0 $0x0, s1;
	[sflag:s0] =	ssyncset.done @!p0 $0x0  }
0x16d: {  	[sflag:s0] =	ssyncadd.s32 @!p0 s1  }
0x16e: {  	[bflag:$0x3] =	sbarrier.arrive $0xFFFF  }
0x16f: {  	_ =	shalt  }

</sc_bundles>
